<compile_context>
chip_gen: v7x
topology: tpu7x:2x2x1
jax: 0.10.2.dev20260603
libtpu: 0.0.44.dev20260713+nightly
codegen_flags: <defaults>
</compile_context>

<pallas_src>
import functools

import jax
import jax.numpy as jnp
from jax import lax
from jax.experimental import pallas as pl
from jax.experimental.pallas import tpu as pltpu
from jax.experimental.pallas import tpu_sc as plsc

NC = 2
NS = 16
LANES = 16
SC_SEGS = 2



def _sc_seg_max_body(d, seg_len, first_seg,
                     seqs_hbm, out_hbm, buf, part, sem0, sem1):
    nvec = d // LANES
    c = lax.axis_index("c")
    s = lax.axis_index("s")
    w = c * NS + s
    wps = NC * NS // SC_SEGS
    rows_w = seg_len // wps

    row0 = (first_seg + w // wps) * seg_len + (w % wps) * rows_w
    half = rows_w // 2
    neg_inf = jnp.full((LANES,), -jnp.inf, dtype=jnp.float32)
    accs = (neg_inf,) * nvec

    d1 = pltpu.async_copy(seqs_hbm.at[pl.ds(row0, half)], buf.at[0], sem0)
    d2 = pltpu.async_copy(
        seqs_hbm.at[pl.ds(row0 + half, half)], buf.at[1], sem1)
    for h, dsc in ((0, d1), (1, d2)):
        dsc.wait()

        def row_step(r, a, _h=h):
            return tuple(
                jnp.maximum(a[f], buf[_h, r, pl.ds(f * LANES, LANES)])
                for f in range(nvec)
            )

        accs = lax.fori_loop(0, half, row_step, accs)
    for f in range(nvec):
        part[0, pl.ds(f * LANES, LANES)] = accs[f]
    pltpu.sync_copy(part, out_hbm.at[pl.ds(w, 1)])


def _sc_part(seqs2d, d, seg_len, first_seg):
    mesh = plsc.VectorSubcoreMesh(core_axis_name="c", subcore_axis_name="s")
    body = functools.partial(_sc_seg_max_body, d, seg_len, first_seg)
    return pl.kernel(
        body,
        out_type=jax.ShapeDtypeStruct((NC * NS, d), jnp.float32),
        mesh=mesh,
        scratch_types=[
            pltpu.VMEM((2, seg_len * SC_SEGS // (NC * NS) // 2, d),
                       jnp.float32),
            pltpu.VMEM((1, d), jnp.float32),
            pltpu.SemaphoreType.DMA,
            pltpu.SemaphoreType.DMA,
        ],
    )(seqs2d)



def _tc_seg_max_body(seqs_ref, out_ref):
    i = pl.program_id(0)
    out_ref[pl.ds(i, 1), :] = jnp.max(seqs_ref[...], axis=0, keepdims=True)


def _tc_part(seqs2d, d, seg_len, num_tc_segs):
    return pl.pallas_call(
        _tc_seg_max_body,
        grid=(num_tc_segs,),
        in_specs=[pl.BlockSpec((seg_len, d), lambda i: (i, 0))],
        out_specs=pl.BlockSpec((num_tc_segs, d), lambda i: (0, 0)),
        out_shape=jax.ShapeDtypeStruct((num_tc_segs, d), jnp.float32),
    )(seqs2d)


def _merge_body(num_tc_segs, tc_ref, sc_ref, out_ref):
    wps = NC * NS // SC_SEGS
    out_ref[pl.ds(0, num_tc_segs), :] = tc_ref[...]
    for k in range(SC_SEGS):
        out_ref[pl.ds(num_tc_segs + k, 1), :] = jnp.max(
            sc_ref[pl.ds(k * wps, wps), :], axis=0, keepdims=True)


def _merge(tc_out, sc_parts, d, num_segs, num_tc_segs):
    return pl.pallas_call(
        functools.partial(_merge_body, num_tc_segs),
        out_shape=jax.ShapeDtypeStruct((num_segs, d), jnp.float32),
    )(tc_out, sc_parts)


def kernel(seqs, seqL):
    n, total_s, d = seqs.shape
    num_segs = seqL.shape[1]
    del seqL
    seg_len = total_s // num_segs
    num_tc_segs = num_segs - SC_SEGS

    seqs2d = seqs.reshape(total_s, d)

    sc_parts = _sc_part(seqs2d, d, seg_len, num_tc_segs)
    tc_out = _tc_part(seqs2d, d, seg_len, num_tc_segs)
    return _merge(tc_out, sc_parts, d, num_segs, num_tc_segs)

# --- scband reference (transcript-rebuilt; emitter-appended) ---
"""Pipeline reference for scband-pack-sequence-wrapper-34394098106423 (READ-ONLY COPY).

The authoritative reference and input builder live on the scoring server;
editing this copy changes nothing except your own understanding.
"""

import jax, jax.numpy as jnp
import numpy as np

N = 1
TOTAL_S = 8192
D = 256
NUM_SEGS = 8
SEG_LEN = TOTAL_S // NUM_SEGS


def setup_inputs(seed: int = 0) -> dict:
    key = jax.random.key(seed)
    k1, _ = jax.random.split(key)
    seqs = jax.random.normal(k1, (N, TOTAL_S, D), dtype=jnp.float32)
    # seqL is a [1, num_segments] int tensor whose values sum to TOTAL_S.
    # Constant equal-length segments so cumsum offsets are valid.
    seqL = jnp.full((1, NUM_SEGS), SEG_LEN, dtype=jnp.int32)
    return {"seqs": seqs, "seqL": seqL}


def reference(seqs, seqL):
    # Faithful translation of PackSequenceWrapper.forward with
    # pooling_func = lambda x: max over seq_dim (temporal max pooling),
    # seq_dim=1. Segment count and per-segment length are static
    # (equal-length segments), so they are derived from the arrays'
    # static shapes; start offsets are computed as a traced cumsum of
    # seqL[0], which dynamic_slice accepts as traced start indices.
    num_segs = seqL.shape[1]
    seg_len = seqs.shape[1] // num_segs
    lens = seqL[0]
    starts = jnp.concatenate(
        [jnp.zeros((1,), dtype=lens.dtype), jnp.cumsum(lens)[:-1]]
    )
    rets = []
    for i in range(num_segs):
        narrowed = jax.lax.dynamic_slice_in_dim(seqs, starts[i], seg_len, axis=1)
        rets.append(jnp.max(narrowed, axis=1))  # [n, d] per segment
    return jnp.concatenate(rets, axis=0)  # [num_segments * n, d]

if __name__ == "__main__":
    import jax
    _d = setup_inputs()
    print(jax.jit(kernel)(*tuple(_d.values())))

</pallas_src>

<mosaic_0001>
#map = affine_map<(d0, d1) -> (0, 0)>
module attributes {stable_mosaic.version = 14 : i64} {
  func.func @_sc_seg_max_body(%arg0: i32, %arg1: i32, %arg2: memref<8192x256xf32, #tpu.memory_space<hbm>>, %arg3: memref<32x256xf32, #tpu.memory_space<hbm>>, %arg4: memref<2x32x256xf32, #tpu.memory_space<vmem>>, %arg5: memref<1x256xf32, #tpu.memory_space<vmem>>, %arg6: memref<!tpu.dma_semaphore, #tpu.memory_space<semaphore_mem>>, %arg7: memref<!tpu.dma_semaphore, #tpu.memory_space<semaphore_mem>>) attributes {dimension_semantics = [#tpu.dimension_semantics<core_parallel>, #tpu.dimension_semantics<subcore_parallel>], iteration_bounds = array<i64: 2, 16>, scalar_prefetch = 0 : i64, scratch_operands = 4 : i64, tpu.core_type = #tpu.core_type<sc_vector_subcore>, window_params = [{transform_indices = #map}, {transform_indices = #map}]} {
    %mul3A = arith.constant 16 : i32
    %mul3A_0 = arith.muli %arg0, %mul3A : i32
    %add3A = arith.addi %mul3A_0, %arg1 : i32
    %jit3A = arith.constant 16 : i32
    %div3A = arith.divsi %add3A, %jit3A : i32
    %sign3A = arith.constant 0 : i32
    %sign3A_1 = arith.cmpi sgt, %add3A, %sign3A : i32
    %sign3A_2 = arith.extui %sign3A_1 : i1 to i32
    %sign3A_3 = arith.constant 0 : i32
    %sign3A_4 = arith.cmpi slt, %add3A, %sign3A_3 : i32
    %sign3A_5 = arith.extui %sign3A_4 : i1 to i32
    %sign3A_6 = arith.subi %sign3A_2, %sign3A_5 : i32
    %sign3A_7 = arith.constant 0 : i32
    %sign3A_8 = arith.cmpi sgt, %jit3A, %sign3A_7 : i32
    %sign3A_9 = arith.extui %sign3A_8 : i1 to i32
    %sign3A_10 = arith.constant 0 : i32
    %sign3A_11 = arith.cmpi slt, %jit3A, %sign3A_10 : i32
    %sign3A_12 = arith.extui %sign3A_11 : i1 to i32
    %sign3A_13 = arith.subi %sign3A_9, %sign3A_12 : i32
    %ne3A = arith.cmpi ne, %sign3A_6, %sign3A_13 : i32
    %rem3A = arith.remsi %add3A, %jit3A : i32
    %ne3A_14 = arith.constant 0 : i32
    %ne3A_15 = arith.cmpi ne, %rem3A, %ne3A_14 : i32
    %and3A = arith.andi %ne3A, %ne3A_15 : i1
    %sub3A = arith.constant 1 : i32
    %sub3A_16 = arith.subi %div3A, %sub3A : i32
    %select_n3A = arith.select %and3A, %sub3A_16, %div3A : i32
    %add3A_17 = arith.constant 6 : i32
    %add3A_18 = arith.addi %add3A_17, %select_n3A : i32
    %mul3A_19 = arith.constant 1024 : i32
    %mul3A_20 = arith.muli %add3A_18, %mul3A_19 : i32
    %jit3A_21 = arith.constant 16 : i32
    %eq3A = arith.constant 0 : i32
    %eq3A_22 = arith.cmpi eq, %jit3A_21, %eq3A : i32
    %jit3A_23 = arith.constant 1 : i32
    %select_n3A_24 = arith.select %eq3A_22, %jit3A_23, %jit3A_21 : i32
    %rem3A_25 = arith.remsi %add3A, %select_n3A_24 : i32
    %ne3A_26 = arith.constant 0 : i32
    %ne3A_27 = arith.cmpi ne, %rem3A_25, %ne3A_26 : i32
    %lt3A = arith.constant 0 : i32
    %lt3A_28 = arith.cmpi slt, %rem3A_25, %lt3A : i32
    %lt3A_29 = arith.constant 0 : i32
    %lt3A_30 = arith.cmpi slt, %select_n3A_24, %lt3A_29 : i32
    %ne3A_31 = arith.xori %lt3A_28, %lt3A_30 : i1
    %and3A_32 = arith.andi %ne3A_31, %ne3A_27 : i1
    %add3A_33 = arith.addi %rem3A_25, %select_n3A_24 : i32
    %select_n3A_34 = arith.select %and3A_32, %add3A_33, %rem3A_25 : i32
    %mul3A_35 = arith.constant 64 : i32
    %mul3A_36 = arith.muli %select_n3A_34, %mul3A_35 : i32
    %add3A_37 = arith.addi %mul3A_20, %mul3A_36 : i32
    %broadcast_in_dim3A = arith.constant 0xFF800000 : f32
    %broadcast_in_dim3A_38 = vector.broadcast %broadcast_in_dim3A : f32 to vector<16xf32>
    %dma_start3A = arith.constant 0 : i32
    %dma_start3A_39 = arith.constant 0 : i32
    %dma_start3A_40 = arith.constant 0 : i32
    %dma_start3A_41 = tpu.memref_slice %arg4[%dma_start3A, %dma_start3A_39, %dma_start3A_40] : memref<2x32x256xf32, #tpu.memory_space<vmem>> -> memref<1x32x256xf32, #tpu.memory_space<vmem>>
    %dma_start3A_42 = tpu.memref_squeeze %dma_start3A_41 : memref<1x32x256xf32, #tpu.memory_space<vmem>> -> memref<32x256xf32, #tpu.memory_space<vmem>>
    %dma_start3A_43 = arith.constant 0 : i32
    %dma_start3A_44 = tpu.memref_slice %arg2[%add3A_37, %dma_start3A_43] : memref<8192x256xf32, #tpu.memory_space<hbm>> -> memref<32x256xf32, #tpu.memory_space<hbm>>
    %dma_start3A_45 = arith.constant 0 : i32
    %dma_start3A_46 = arith.constant 0 : i32
    %dma_start3A_47 = tpu.memref_slice %arg4[%dma_start3A, %dma_start3A_45, %dma_start3A_46] : memref<2x32x256xf32, #tpu.memory_space<vmem>> -> memref<1x32x256xf32, #tpu.memory_space<vmem>>
    %dma_start3A_48 = tpu.memref_squeeze %dma_start3A_47 : memref<1x32x256xf32, #tpu.memory_space<vmem>> -> memref<32x256xf32, #tpu.memory_space<vmem>>
    %dma_start3A_49 = arith.constant 0 : i32
    %dma_start3A_50 = tpu.memref_slice %arg2[%add3A_37, %dma_start3A_49] : memref<8192x256xf32, #tpu.memory_space<hbm>> -> memref<32x256xf32, #tpu.memory_space<hbm>>
    tpu.enqueue_dma source(%dma_start3A_50 : memref<32x256xf32, #tpu.memory_space<hbm>>) target(%dma_start3A_48 : memref<32x256xf32, #tpu.memory_space<vmem>>) target_semaphore(%arg6 : memref<!tpu.dma_semaphore, #tpu.memory_space<semaphore_mem>>)
    %add3A_51 = arith.constant 32 : i32
    %add3A_52 = arith.addi %add3A_37, %add3A_51 : i32
    %dma_start3A_53 = arith.constant 1 : i32
    %dma_start3A_54 = arith.constant 0 : i32
    %dma_start3A_55 = arith.constant 0 : i32
    %dma_start3A_56 = tpu.memref_slice %arg4[%dma_start3A_53, %dma_start3A_54, %dma_start3A_55] : memref<2x32x256xf32, #tpu.memory_space<vmem>> -> memref<1x32x256xf32, #tpu.memory_space<vmem>>
    %dma_start3A_57 = tpu.memref_squeeze %dma_start3A_56 : memref<1x32x256xf32, #tpu.memory_space<vmem>> -> memref<32x256xf32, #tpu.memory_space<vmem>>
    %dma_start3A_58 = arith.constant 0 : i32
    %dma_start3A_59 = tpu.memref_slice %arg2[%add3A_52, %dma_start3A_58] : memref<8192x256xf32, #tpu.memory_space<hbm>> -> memref<32x256xf32, #tpu.memory_space<hbm>>
    %dma_start3A_60 = arith.constant 0 : i32
    %dma_start3A_61 = arith.constant 0 : i32
    %dma_start3A_62 = tpu.memref_slice %arg4[%dma_start3A_53, %dma_start3A_60, %dma_start3A_61] : memref<2x32x256xf32, #tpu.memory_space<vmem>> -> memref<1x32x256xf32, #tpu.memory_space<vmem>>
    %dma_start3A_63 = tpu.memref_squeeze %dma_start3A_62 : memref<1x32x256xf32, #tpu.memory_space<vmem>> -> memref<32x256xf32, #tpu.memory_space<vmem>>
    %dma_start3A_64 = arith.constant 0 : i32
    %dma_start3A_65 = tpu.memref_slice %arg2[%add3A_52, %dma_start3A_64] : memref<8192x256xf32, #tpu.memory_space<hbm>> -> memref<32x256xf32, #tpu.memory_space<hbm>>
    tpu.enqueue_dma source(%dma_start3A_65 : memref<32x256xf32, #tpu.memory_space<hbm>>) target(%dma_start3A_63 : memref<32x256xf32, #tpu.memory_space<vmem>>) target_semaphore(%arg7 : memref<!tpu.dma_semaphore, #tpu.memory_space<semaphore_mem>>)
    %dma_wait3A = arith.constant 0 : i32
    %dma_wait3A_66 = arith.constant 0 : i32
    %dma_wait3A_67 = arith.constant 0 : i32
    %dma_wait3A_68 = tpu.memref_slice %arg4[%dma_wait3A, %dma_wait3A_66, %dma_wait3A_67] : memref<2x32x256xf32, #tpu.memory_space<vmem>> -> memref<1x32x256xf32, #tpu.memory_space<vmem>>
    %dma_wait3A_69 = tpu.memref_squeeze %dma_wait3A_68 : memref<1x32x256xf32, #tpu.memory_space<vmem>> -> memref<32x256xf32, #tpu.memory_space<vmem>>
    %dma_wait3A_70 = arith.constant 0 : i32
    %dma_wait3A_71 = tpu.memref_slice %arg2[%add3A_37, %dma_wait3A_70] : memref<8192x256xf32, #tpu.memory_space<hbm>> -> memref<32x256xf32, #tpu.memory_space<hbm>>
    %dma_wait3A_72 = arith.constant 0 : i32
    %dma_wait3A_73 = arith.constant 0 : i32
    %dma_wait3A_74 = tpu.memref_slice %arg4[%dma_wait3A, %dma_wait3A_72, %dma_wait3A_73] : memref<2x32x256xf32, #tpu.memory_space<vmem>> -> memref<1x32x256xf32, #tpu.memory_space<vmem>>
    %dma_wait3A_75 = tpu.memref_squeeze %dma_wait3A_74 : memref<1x32x256xf32, #tpu.memory_space<vmem>> -> memref<32x256xf32, #tpu.memory_space<vmem>>
    %dma_wait3A_76 = arith.constant 0 : i32
    %dma_wait3A_77 = tpu.memref_slice %arg2[%add3A_37, %dma_wait3A_76] : memref<8192x256xf32, #tpu.memory_space<hbm>> -> memref<32x256xf32, #tpu.memory_space<hbm>>
    tpu.wait_dma2 semaphore(%arg6 : memref<!tpu.dma_semaphore, #tpu.memory_space<semaphore_mem>>) src(%dma_wait3A_77 : memref<32x256xf32, #tpu.memory_space<hbm>>) dst(%dma_wait3A_75 : memref<32x256xf32, #tpu.memory_space<vmem>>)
    %scan3A = arith.constant 0 : i32
    %scan3A_78 = arith.constant 32 : i32
    %scan3A_79 = arith.addi %scan3A, %scan3A_78 : i32
    %scan3A_80 = arith.constant 1 : i32
    %scan3A_81:16 = scf.for %scan3A_197 = %scan3A to %scan3A_79 step %scan3A_80 iter_args(%scan3A_198 = %broadcast_in_dim3A_38, %scan3A_199 = %broadcast_in_dim3A_38, %scan3A_200 = %broadcast_in_dim3A_38, %scan3A_201 = %broadcast_in_dim3A_38, %scan3A_202 = %broadcast_in_dim3A_38, %scan3A_203 = %broadcast_in_dim3A_38, %scan3A_204 = %broadcast_in_dim3A_38, %scan3A_205 = %broadcast_in_dim3A_38, %scan3A_206 = %broadcast_in_dim3A_38, %scan3A_207 = %broadcast_in_dim3A_38, %scan3A_208 = %broadcast_in_dim3A_38, %scan3A_209 = %broadcast_in_dim3A_38, %scan3A_210 = %broadcast_in_dim3A_38, %scan3A_211 = %broadcast_in_dim3A_38, %scan3A_212 = %broadcast_in_dim3A_38, %scan3A_213 = %broadcast_in_dim3A_38) -> (vector<16xf32>, vector<16xf32>, vector<16xf32>, vector<16xf32>, vector<16xf32>, vector<16xf32>, vector<16xf32>, vector<16xf32>, vector<16xf32>, vector<16xf32>, vector<16xf32>, vector<16xf32>, vector<16xf32>, vector<16xf32>, vector<16xf32>, vector<16xf32>)  : i32 {
      %get3A = arith.constant 0 : i32
      %get3A_214 = arith.index_cast %get3A : i32 to index
      %get3A_215 = arith.index_cast %scan3A_197 : i32 to index
      %get3A_216 = arith.constant 0 : index
      %get3A_217 = tpu.vector_load %arg4[%get3A_214, %get3A_215, %get3A_216] {strides = array<i32>} : memref<2x32x256xf32, #tpu.memory_space<vmem>>, vector<1x1x16xf32>,
      %get3A_218 = vector.shape_cast %get3A_217 : vector<1x1x16xf32> to vector<16xf32>
      %max3A = arith.maximumf %scan3A_198, %get3A_218 : vector<16xf32>
      %get3A_219 = arith.constant 0 : i32
      %get3A_220 = arith.index_cast %get3A_219 : i32 to index
      %get3A_221 = arith.index_cast %scan3A_197 : i32 to index
      %get3A_222 = arith.constant 16 : index
      %get3A_223 = tpu.vector_load %arg4[%get3A_220, %get3A_221, %get3A_222] {strides = array<i32>} : memref<2x32x256xf32, #tpu.memory_space<vmem>>, vector<1x1x16xf32>,
      %get3A_224 = vector.shape_cast %get3A_223 : vector<1x1x16xf32> to vector<16xf32>
      %max3A_225 = arith.maximumf %scan3A_199, %get3A_224 : vector<16xf32>
      %get3A_226 = arith.constant 0 : i32
      %get3A_227 = arith.index_cast %get3A_226 : i32 to index
      %get3A_228 = arith.index_cast %scan3A_197 : i32 to index
      %get3A_229 = arith.constant 32 : index
      %get3A_230 = tpu.vector_load %arg4[%get3A_227, %get3A_228, %get3A_229] {strides = array<i32>} : memref<2x32x256xf32, #tpu.memory_space<vmem>>, vector<1x1x16xf32>,
      %get3A_231 = vector.shape_cast %get3A_230 : vector<1x1x16xf32> to vector<16xf32>
      %max3A_232 = arith.maximumf %scan3A_200, %get3A_231 : vector<16xf32>
      %get3A_233 = arith.constant 0 : i32
      %get3A_234 = arith.index_cast %get3A_233 : i32 to index
      %get3A_235 = arith.index_cast %scan3A_197 : i32 to index
      %get3A_236 = arith.constant 48 : index
      %get3A_237 = tpu.vector_load %arg4[%get3A_234, %get3A_235, %get3A_236] {strides = array<i32>} : memref<2x32x256xf32, #tpu.memory_space<vmem>>, vector<1x1x16xf32>,
      %get3A_238 = vector.shape_cast %get3A_237 : vector<1x1x16xf32> to vector<16xf32>
      %max3A_239 = arith.maximumf %scan3A_201, %get3A_238 : vector<16xf32>
      %get3A_240 = arith.constant 0 : i32
      %get3A_241 = arith.index_cast %get3A_240 : i32 to index
      %get3A_242 = arith.index_cast %scan3A_197 : i32 to index
      %get3A_243 = arith.constant 64 : index
      %get3A_244 = tpu.vector_load %arg4[%get3A_241, %get3A_242, %get3A_243] {strides = array<i32>} : memref<2x32x256xf32, #tpu.memory_space<vmem>>, vector<1x1x16xf32>,
      %get3A_245 = vector.shape_cast %get3A_244 : vector<1x1x16xf32> to vector<16xf32>
      %max3A_246 = arith.maximumf %scan3A_202, %get3A_245 : vector<16xf32>
      %get3A_247 = arith.constant 0 : i32
      %get3A_248 = arith.index_cast %get3A_247 : i32 to index
      %get3A_249 = arith.index_cast %scan3A_197 : i32 to index
      %get3A_250 = arith.constant 80 : index
      %get3A_251 = tpu.vector_load %arg4[%get3A_248, %get3A_249, %get3A_250] {strides = array<i32>} : memref<2x32x256xf32, #tpu.memory_space<vmem>>, vector<1x1x16xf32>,
      %get3A_252 = vector.shape_cast %get3A_251 : vector<1x1x16xf32> to vector<16xf32>
      %max3A_253 = arith.maximumf %scan3A_203, %get3A_252 : vector<16xf32>
      %get3A_254 = arith.constant 0 : i32
      %get3A_255 = arith.index_cast %get3A_254 : i32 to index
      %get3A_256 = arith.index_cast %scan3A_197 : i32 to index
      %get3A_257 = arith.constant 96 : index
      %get3A_258 = tpu.vector_load %arg4[%get3A_255, %get3A_256, %get3A_257] {strides = array<i32>} : memref<2x32x256xf32, #tpu.memory_space<vmem>>, vector<1x1x16xf32>,
      %get3A_259 = vector.shape_cast %get3A_258 : vector<1x1x16xf32> to vector<16xf32>
      %max3A_260 = arith.maximumf %scan3A_204, %get3A_259 : vector<16xf32>
      %get3A_261 = arith.constant 0 : i32
      %get3A_262 = arith.index_cast %get3A_261 : i32 to index
      %get3A_263 = arith.index_cast %scan3A_197 : i32 to index
      %get3A_264 = arith.constant 112 : index
      %get3A_265 = tpu.vector_load %arg4[%get3A_262, %get3A_263, %get3A_264] {strides = array<i32>} : memref<2x32x256xf32, #tpu.memory_space<vmem>>, vector<1x1x16xf32>,
      %get3A_266 = vector.shape_cast %get3A_265 : vector<1x1x16xf32> to vector<16xf32>
      %max3A_267 = arith.maximumf %scan3A_205, %get3A_266 : vector<16xf32>
      %get3A_268 = arith.constant 0 : i32
      %get3A_269 = arith.index_cast %get3A_268 : i32 to index
      %get3A_270 = arith.index_cast %scan3A_197 : i32 to index
      %get3A_271 = arith.constant 128 : index
      %get3A_272 = tpu.vector_load %arg4[%get3A_269, %get3A_270, %get3A_271] {strides = array<i32>} : memref<2x32x256xf32, #tpu.memory_space<vmem>>, vector<1x1x16xf32>,
      %get3A_273 = vector.shape_cast %get3A_272 : vector<1x1x16xf32> to vector<16xf32>
      %max3A_274 = arith.maximumf %scan3A_206, %get3A_273 : vector<16xf32>
      %get3A_275 = arith.constant 0 : i32
      %get3A_276 = arith.index_cast %get3A_275 : i32 to index
      %get3A_277 = arith.index_cast %scan3A_197 : i32 to index
      %get3A_278 = arith.constant 144 : index
      %get3A_279 = tpu.vector_load %arg4[%get3A_276, %get3A_277, %get3A_278] {strides = array<i32>} : memref<2x32x256xf32, #tpu.memory_space<vmem>>, vector<1x1x16xf32>,
      %get3A_280 = vector.shape_cast %get3A_279 : vector<1x1x16xf32> to vector<16xf32>
      %max3A_281 = arith.maximumf %scan3A_207, %get3A_280 : vector<16xf32>
      %get3A_282 = arith.constant 0 : i32
      %get3A_283 = arith.index_cast %get3A_282 : i32 to index
      %get3A_284 = arith.index_cast %scan3A_197 : i32 to index
      %get3A_285 = arith.constant 160 : index
      %get3A_286 = tpu.vector_load %arg4[%get3A_283, %get3A_284, %get3A_285] {strides = array<i32>} : memref<2x32x256xf32, #tpu.memory_space<vmem>>, vector<1x1x16xf32>,
      %get3A_287 = vector.shape_cast %get3A_286 : vector<1x1x16xf32> to vector<16xf32>
      %max3A_288 = arith.maximumf %scan3A_208, %get3A_287 : vector<16xf32>
      %get3A_289 = arith.constant 0 : i32
      %get3A_290 = arith.index_cast %get3A_289 : i32 to index
      %get3A_291 = arith.index_cast %scan3A_197 : i32 to index
      %get3A_292 = arith.constant 176 : index
      %get3A_293 = tpu.vector_load %arg4[%get3A_290, %get3A_291, %get3A_292] {strides = array<i32>} : memref<2x32x256xf32, #tpu.memory_space<vmem>>, vector<1x1x16xf32>,
      %get3A_294 = vector.shape_cast %get3A_293 : vector<1x1x16xf32> to vector<16xf32>
      %max3A_295 = arith.maximumf %scan3A_209, %get3A_294 : vector<16xf32>
      %get3A_296 = arith.constant 0 : i32
      %get3A_297 = arith.index_cast %get3A_296 : i32 to index
      %get3A_298 = arith.index_cast %scan3A_197 : i32 to index
      %get3A_299 = arith.constant 192 : index
      %get3A_300 = tpu.vector_load %arg4[%get3A_297, %get3A_298, %get3A_299] {strides = array<i32>} : memref<2x32x256xf32, #tpu.memory_space<vmem>>, vector<1x1x16xf32>,
      %get3A_301 = vector.shape_cast %get3A_300 : vector<1x1x16xf32> to vector<16xf32>
      %max3A_302 = arith.maximumf %scan3A_210, %get3A_301 : vector<16xf32>
      %get3A_303 = arith.constant 0 : i32
      %get3A_304 = arith.index_cast %get3A_303 : i32 to index
      %get3A_305 = arith.index_cast %scan3A_197 : i32 to index
      %get3A_306 = arith.constant 208 : index
      %get3A_307 = tpu.vector_load %arg4[%get3A_304, %get3A_305, %get3A_306] {strides = array<i32>} : memref<2x32x256xf32, #tpu.memory_space<vmem>>, vector<1x1x16xf32>,
      %get3A_308 = vector.shape_cast %get3A_307 : vector<1x1x16xf32> to vector<16xf32>
      %max3A_309 = arith.maximumf %scan3A_211, %get3A_308 : vector<16xf32>
      %get3A_310 = arith.constant 0 : i32
      %get3A_311 = arith.index_cast %get3A_310 : i32 to index
      %get3A_312 = arith.index_cast %scan3A_197 : i32 to index
      %get3A_313 = arith.constant 224 : index
      %get3A_314 = tpu.vector_load %arg4[%get3A_311, %get3A_312, %get3A_313] {strides = array<i32>} : memref<2x32x256xf32, #tpu.memory_space<vmem>>, vector<1x1x16xf32>,
      %get3A_315 = vector.shape_cast %get3A_314 : vector<1x1x16xf32> to vector<16xf32>
      %max3A_316 = arith.maximumf %scan3A_212, %get3A_315 : vector<16xf32>
      %get3A_317 = arith.constant 0 : i32
      %get3A_318 = arith.index_cast %get3A_317 : i32 to index
      %get3A_319 = arith.index_cast %scan3A_197 : i32 to index
      %get3A_320 = arith.constant 240 : index
      %get3A_321 = tpu.vector_load %arg4[%get3A_318, %get3A_319, %get3A_320] {strides = array<i32>} : memref<2x32x256xf32, #tpu.memory_space<vmem>>, vector<1x1x16xf32>,
      %get3A_322 = vector.shape_cast %get3A_321 : vector<1x1x16xf32> to vector<16xf32>
      %max3A_323 = arith.maximumf %scan3A_213, %get3A_322 : vector<16xf32>
      scf.yield %max3A, %max3A_225, %max3A_232, %max3A_239, %max3A_246, %max3A_253, %max3A_260, %max3A_267, %max3A_274, %max3A_281, %max3A_288, %max3A_295, %max3A_302, %max3A_309, %max3A_316, %max3A_323 : vector<16xf32>, vector<16xf32>, vector<16xf32>, vector<16xf32>, vector<16xf32>, vector<16xf32>, vector<16xf32>, vector<16xf32>, vector<16xf32>, vector<16xf32>, vector<16xf32>, vector<16xf32>, vector<16xf32>, vector<16xf32>, vector<16xf32>, vector<16xf32>
    }
    %scan3A_82 = arith.constant 32 : i32
    %dma_wait3A_83 = arith.constant 1 : i32
    %dma_wait3A_84 = arith.constant 0 : i32
    %dma_wait3A_85 = arith.constant 0 : i32
    %dma_wait3A_86 = tpu.memref_slice %arg4[%dma_wait3A_83, %dma_wait3A_84, %dma_wait3A_85] : memref<2x32x256xf32, #tpu.memory_space<vmem>> -> memref<1x32x256xf32, #tpu.memory_space<vmem>>
    %dma_wait3A_87 = tpu.memref_squeeze %dma_wait3A_86 : memref<1x32x256xf32, #tpu.memory_space<vmem>> -> memref<32x256xf32, #tpu.memory_space<vmem>>
    %dma_wait3A_88 = arith.constant 0 : i32
    %dma_wait3A_89 = tpu.memref_slice %arg2[%add3A_52, %dma_wait3A_88] : memref<8192x256xf32, #tpu.memory_space<hbm>> -> memref<32x256xf32, #tpu.memory_space<hbm>>
    %dma_wait3A_90 = arith.constant 0 : i32
    %dma_wait3A_91 = arith.constant 0 : i32
    %dma_wait3A_92 = tpu.memref_slice %arg4[%dma_wait3A_83, %dma_wait3A_90, %dma_wait3A_91] : memref<2x32x256xf32, #tpu.memory_space<vmem>> -> memref<1x32x256xf32, #tpu.memory_space<vmem>>
    %dma_wait3A_93 = tpu.memref_squeeze %dma_wait3A_92 : memref<1x32x256xf32, #tpu.memory_space<vmem>> -> memref<32x256xf32, #tpu.memory_space<vmem>>
    %dma_wait3A_94 = arith.constant 0 : i32
    %dma_wait3A_95 = tpu.memref_slice %arg2[%add3A_52, %dma_wait3A_94] : memref<8192x256xf32, #tpu.memory_space<hbm>> -> memref<32x256xf32, #tpu.memory_space<hbm>>
    tpu.wait_dma2 semaphore(%arg7 : memref<!tpu.dma_semaphore, #tpu.memory_space<semaphore_mem>>) src(%dma_wait3A_95 : memref<32x256xf32, #tpu.memory_space<hbm>>) dst(%dma_wait3A_93 : memref<32x256xf32, #tpu.memory_space<vmem>>)
    %scan3A_96 = arith.constant 0 : i32
    %scan3A_97 = arith.constant 32 : i32
    %scan3A_98 = arith.addi %scan3A_96, %scan3A_97 : i32
    %scan3A_99 = arith.constant 1 : i32
    %scan3A_100:16 = scf.for %scan3A_197 = %scan3A_96 to %scan3A_98 step %scan3A_99 iter_args(%scan3A_198 = %scan3A_81#0, %scan3A_199 = %scan3A_81#1, %scan3A_200 = %scan3A_81#2, %scan3A_201 = %scan3A_81#3, %scan3A_202 = %scan3A_81#4, %scan3A_203 = %scan3A_81#5, %scan3A_204 = %scan3A_81#6, %scan3A_205 = %scan3A_81#7, %scan3A_206 = %scan3A_81#8, %scan3A_207 = %scan3A_81#9, %scan3A_208 = %scan3A_81#10, %scan3A_209 = %scan3A_81#11, %scan3A_210 = %scan3A_81#12, %scan3A_211 = %scan3A_81#13, %scan3A_212 = %scan3A_81#14, %scan3A_213 = %scan3A_81#15) -> (vector<16xf32>, vector<16xf32>, vector<16xf32>, vector<16xf32>, vector<16xf32>, vector<16xf32>, vector<16xf32>, vector<16xf32>, vector<16xf32>, vector<16xf32>, vector<16xf32>, vector<16xf32>, vector<16xf32>, vector<16xf32>, vector<16xf32>, vector<16xf32>)  : i32 {
      %get3A = arith.constant 1 : i32
      %get3A_214 = arith.index_cast %get3A : i32 to index
      %get3A_215 = arith.index_cast %scan3A_197 : i32 to index
      %get3A_216 = arith.constant 0 : index
      %get3A_217 = tpu.vector_load %arg4[%get3A_214, %get3A_215, %get3A_216] {strides = array<i32>} : memref<2x32x256xf32, #tpu.memory_space<vmem>>, vector<1x1x16xf32>,
      %get3A_218 = vector.shape_cast %get3A_217 : vector<1x1x16xf32> to vector<16xf32>
      %max3A = arith.maximumf %scan3A_198, %get3A_218 : vector<16xf32>
      %get3A_219 = arith.constant 1 : i32
      %get3A_220 = arith.index_cast %get3A_219 : i32 to index
      %get3A_221 = arith.index_cast %scan3A_197 : i32 to index
      %get3A_222 = arith.constant 16 : index
      %get3A_223 = tpu.vector_load %arg4[%get3A_220, %get3A_221, %get3A_222] {strides = array<i32>} : memref<2x32x256xf32, #tpu.memory_space<vmem>>, vector<1x1x16xf32>,
      %get3A_224 = vector.shape_cast %get3A_223 : vector<1x1x16xf32> to vector<16xf32>
      %max3A_225 = arith.maximumf %scan3A_199, %get3A_224 : vector<16xf32>
      %get3A_226 = arith.constant 1 : i32
      %get3A_227 = arith.index_cast %get3A_226 : i32 to index
      %get3A_228 = arith.index_cast %scan3A_197 : i32 to index
      %get3A_229 = arith.constant 32 : index
      %get3A_230 = tpu.vector_load %arg4[%get3A_227, %get3A_228, %get3A_229] {strides = array<i32>} : memref<2x32x256xf32, #tpu.memory_space<vmem>>, vector<1x1x16xf32>,
      %get3A_231 = vector.shape_cast %get3A_230 : vector<1x1x16xf32> to vector<16xf32>
      %max3A_232 = arith.maximumf %scan3A_200, %get3A_231 : vector<16xf32>
      %get3A_233 = arith.constant 1 : i32
      %get3A_234 = arith.index_cast %get3A_233 : i32 to index
      %get3A_235 = arith.index_cast %scan3A_197 : i32 to index
      %get3A_236 = arith.constant 48 : index
      %get3A_237 = tpu.vector_load %arg4[%get3A_234, %get3A_235, %get3A_236] {strides = array<i32>} : memref<2x32x256xf32, #tpu.memory_space<vmem>>, vector<1x1x16xf32>,
      %get3A_238 = vector.shape_cast %get3A_237 : vector<1x1x16xf32> to vector<16xf32>
      %max3A_239 = arith.maximumf %scan3A_201, %get3A_238 : vector<16xf32>
      %get3A_240 = arith.constant 1 : i32
      %get3A_241 = arith.index_cast %get3A_240 : i32 to index
      %get3A_242 = arith.index_cast %scan3A_197 : i32 to index
      %get3A_243 = arith.constant 64 : index
      %get3A_244 = tpu.vector_load %arg4[%get3A_241, %get3A_242, %get3A_243] {strides = array<i32>} : memref<2x32x256xf32, #tpu.memory_space<vmem>>, vector<1x1x16xf32>,
      %get3A_245 = vector.shape_cast %get3A_244 : vector<1x1x16xf32> to vector<16xf32>
      %max3A_246 = arith.maximumf %scan3A_202, %get3A_245 : vector<16xf32>
      %get3A_247 = arith.constant 1 : i32
      %get3A_248 = arith.index_cast %get3A_247 : i32 to index
      %get3A_249 = arith.index_cast %scan3A_197 : i32 to index
      %get3A_250 = arith.constant 80 : index
      %get3A_251 = tpu.vector_load %arg4[%get3A_248, %get3A_249, %get3A_250] {strides = array<i32>} : memref<2x32x256xf32, #tpu.memory_space<vmem>>, vector<1x1x16xf32>,
      %get3A_252 = vector.shape_cast %get3A_251 : vector<1x1x16xf32> to vector<16xf32>
      %max3A_253 = arith.maximumf %scan3A_203, %get3A_252 : vector<16xf32>
      %get3A_254 = arith.constant 1 : i32
      %get3A_255 = arith.index_cast %get3A_254 : i32 to index
      %get3A_256 = arith.index_cast %scan3A_197 : i32 to index
      %get3A_257 = arith.constant 96 : index
      %get3A_258 = tpu.vector_load %arg4[%get3A_255, %get3A_256, %get3A_257] {strides = array<i32>} : memref<2x32x256xf32, #tpu.memory_space<vmem>>, vector<1x1x16xf32>,
      %get3A_259 = vector.shape_cast %get3A_258 : vector<1x1x16xf32> to vector<16xf32>
      %max3A_260 = arith.maximumf %scan3A_204, %get3A_259 : vector<16xf32>
      %get3A_261 = arith.constant 1 : i32
      %get3A_262 = arith.index_cast %get3A_261 : i32 to index
      %get3A_263 = arith.index_cast %scan3A_197 : i32 to index
      %get3A_264 = arith.constant 112 : index
      %get3A_265 = tpu.vector_load %arg4[%get3A_262, %get3A_263, %get3A_264] {strides = array<i32>} : memref<2x32x256xf32, #tpu.memory_space<vmem>>, vector<1x1x16xf32>,
      %get3A_266 = vector.shape_cast %get3A_265 : vector<1x1x16xf32> to vector<16xf32>
      %max3A_267 = arith.maximumf %scan3A_205, %get3A_266 : vector<16xf32>
      %get3A_268 = arith.constant 1 : i32
      %get3A_269 = arith.index_cast %get3A_268 : i32 to index
      %get3A_270 = arith.index_cast %scan3A_197 : i32 to index
      %get3A_271 = arith.constant 128 : index
      %get3A_272 = tpu.vector_load %arg4[%get3A_269, %get3A_270, %get3A_271] {strides = array<i32>} : memref<2x32x256xf32, #tpu.memory_space<vmem>>, vector<1x1x16xf32>,
      %get3A_273 = vector.shape_cast %get3A_272 : vector<1x1x16xf32> to vector<16xf32>
      %max3A_274 = arith.maximumf %scan3A_206, %get3A_273 : vector<16xf32>
      %get3A_275 = arith.constant 1 : i32
      %get3A_276 = arith.index_cast %get3A_275 : i32 to index
      %get3A_277 = arith.index_cast %scan3A_197 : i32 to index
      %get3A_278 = arith.constant 144 : index
      %get3A_279 = tpu.vector_load %arg4[%get3A_276, %get3A_277, %get3A_278] {strides = array<i32>} : memref<2x32x256xf32, #tpu.memory_space<vmem>>, vector<1x1x16xf32>,
      %get3A_280 = vector.shape_cast %get3A_279 : vector<1x1x16xf32> to vector<16xf32>
      %max3A_281 = arith.maximumf %scan3A_207, %get3A_280 : vector<16xf32>
      %get3A_282 = arith.constant 1 : i32
      %get3A_283 = arith.index_cast %get3A_282 : i32 to index
      %get3A_284 = arith.index_cast %scan3A_197 : i32 to index
      %get3A_285 = arith.constant 160 : index
      %get3A_286 = tpu.vector_load %arg4[%get3A_283, %get3A_284, %get3A_285] {strides = array<i32>} : memref<2x32x256xf32, #tpu.memory_space<vmem>>, vector<1x1x16xf32>,
      %get3A_287 = vector.shape_cast %get3A_286 : vector<1x1x16xf32> to vector<16xf32>
      %max3A_288 = arith.maximumf %scan3A_208, %get3A_287 : vector<16xf32>
      %get3A_289 = arith.constant 1 : i32
      %get3A_290 = arith.index_cast %get3A_289 : i32 to index
      %get3A_291 = arith.index_cast %scan3A_197 : i32 to index
      %get3A_292 = arith.constant 176 : index
      %get3A_293 = tpu.vector_load %arg4[%get3A_290, %get3A_291, %get3A_292] {strides = array<i32>} : memref<2x32x256xf32, #tpu.memory_space<vmem>>, vector<1x1x16xf32>,
      %get3A_294 = vector.shape_cast %get3A_293 : vector<1x1x16xf32> to vector<16xf32>
      %max3A_295 = arith.maximumf %scan3A_209, %get3A_294 : vector<16xf32>
      %get3A_296 = arith.constant 1 : i32
      %get3A_297 = arith.index_cast %get3A_296 : i32 to index
      %get3A_298 = arith.index_cast %scan3A_197 : i32 to index
      %get3A_299 = arith.constant 192 : index
      %get3A_300 = tpu.vector_load %arg4[%get3A_297, %get3A_298, %get3A_299] {strides = array<i32>} : memref<2x32x256xf32, #tpu.memory_space<vmem>>, vector<1x1x16xf32>,
      %get3A_301 = vector.shape_cast %get3A_300 : vector<1x1x16xf32> to vector<16xf32>
      %max3A_302 = arith.maximumf %scan3A_210, %get3A_301 : vector<16xf32>
      %get3A_303 = arith.constant 1 : i32
      %get3A_304 = arith.index_cast %get3A_303 : i32 to index
      %get3A_305 = arith.index_cast %scan3A_197 : i32 to index
      %get3A_306 = arith.constant 208 : index
      %get3A_307 = tpu.vector_load %arg4[%get3A_304, %get3A_305, %get3A_306] {strides = array<i32>} : memref<2x32x256xf32, #tpu.memory_space<vmem>>, vector<1x1x16xf32>,
      %get3A_308 = vector.shape_cast %get3A_307 : vector<1x1x16xf32> to vector<16xf32>
      %max3A_309 = arith.maximumf %scan3A_211, %get3A_308 : vector<16xf32>
      %get3A_310 = arith.constant 1 : i32
      %get3A_311 = arith.index_cast %get3A_310 : i32 to index
      %get3A_312 = arith.index_cast %scan3A_197 : i32 to index
      %get3A_313 = arith.constant 224 : index
      %get3A_314 = tpu.vector_load %arg4[%get3A_311, %get3A_312, %get3A_313] {strides = array<i32>} : memref<2x32x256xf32, #tpu.memory_space<vmem>>, vector<1x1x16xf32>,
      %get3A_315 = vector.shape_cast %get3A_314 : vector<1x1x16xf32> to vector<16xf32>
      %max3A_316 = arith.maximumf %scan3A_212, %get3A_315 : vector<16xf32>
      %get3A_317 = arith.constant 1 : i32
      %get3A_318 = arith.index_cast %get3A_317 : i32 to index
      %get3A_319 = arith.index_cast %scan3A_197 : i32 to index
      %get3A_320 = arith.constant 240 : index
      %get3A_321 = tpu.vector_load %arg4[%get3A_318, %get3A_319, %get3A_320] {strides = array<i32>} : memref<2x32x256xf32, #tpu.memory_space<vmem>>, vector<1x1x16xf32>,
      %get3A_322 = vector.shape_cast %get3A_321 : vector<1x1x16xf32> to vector<16xf32>
      %max3A_323 = arith.maximumf %scan3A_213, %get3A_322 : vector<16xf32>
      scf.yield %max3A, %max3A_225, %max3A_232, %max3A_239, %max3A_246, %max3A_253, %max3A_260, %max3A_267, %max3A_274, %max3A_281, %max3A_288, %max3A_295, %max3A_302, %max3A_309, %max3A_316, %max3A_323 : vector<16xf32>, vector<16xf32>, vector<16xf32>, vector<16xf32>, vector<16xf32>, vector<16xf32>, vector<16xf32>, vector<16xf32>, vector<16xf32>, vector<16xf32>, vector<16xf32>, vector<16xf32>, vector<16xf32>, vector<16xf32>, vector<16xf32>, vector<16xf32>
    }
    %scan3A_101 = arith.constant 32 : i32
    %swap3A = arith.constant 0 : i32
    %swap3A_102 = arith.index_cast %swap3A : i32 to index
    %swap3A_103 = arith.constant 0 : index
    %swap3A_104 = tpu.vector_load %arg5[%swap3A_102, %swap3A_103] {strides = array<i32>} : memref<1x256xf32, #tpu.memory_space<vmem>>, vector<1x16xf32>,
    %swap3A_105 = vector.shape_cast %swap3A_104 : vector<1x16xf32> to vector<16xf32>
    %swap3A_106 = vector.shape_cast %scan3A_100#0 : vector<16xf32> to vector<1x16xf32>
    tpu.vector_store %arg5[%swap3A_102, %swap3A_103], %swap3A_106 {strides = array<i32>} : memref<1x256xf32, #tpu.memory_space<vmem>>, vector<1x16xf32>,
    %swap3A_107 = arith.constant 0 : i32
    %swap3A_108 = arith.index_cast %swap3A_107 : i32 to index
    %swap3A_109 = arith.constant 16 : index
    %swap3A_110 = tpu.vector_load %arg5[%swap3A_108, %swap3A_109] {strides = array<i32>} : memref<1x256xf32, #tpu.memory_space<vmem>>, vector<1x16xf32>,
    %swap3A_111 = vector.shape_cast %swap3A_110 : vector<1x16xf32> to vector<16xf32>
    %swap3A_112 = vector.shape_cast %scan3A_100#1 : vector<16xf32> to vector<1x16xf32>
    tpu.vector_store %arg5[%swap3A_108, %swap3A_109], %swap3A_112 {strides = array<i32>} : memref<1x256xf32, #tpu.memory_space<vmem>>, vector<1x16xf32>,
    %swap3A_113 = arith.constant 0 : i32
    %swap3A_114 = arith.index_cast %swap3A_113 : i32 to index
    %swap3A_115 = arith.constant 32 : index
    %swap3A_116 = tpu.vector_load %arg5[%swap3A_114, %swap3A_115] {strides = array<i32>} : memref<1x256xf32, #tpu.memory_space<vmem>>, vector<1x16xf32>,
    %swap3A_117 = vector.shape_cast %swap3A_116 : vector<1x16xf32> to vector<16xf32>
    %swap3A_118 = vector.shape_cast %scan3A_100#2 : vector<16xf32> to vector<1x16xf32>
    tpu.vector_store %arg5[%swap3A_114, %swap3A_115], %swap3A_118 {strides = array<i32>} : memref<1x256xf32, #tpu.memory_space<vmem>>, vector<1x16xf32>,
    %swap3A_119 = arith.constant 0 : i32
    %swap3A_120 = arith.index_cast %swap3A_119 : i32 to index
    %swap3A_121 = arith.constant 48 : index
    %swap3A_122 = tpu.vector_load %arg5[%swap3A_120, %swap3A_121] {strides = array<i32>} : memref<1x256xf32, #tpu.memory_space<vmem>>, vector<1x16xf32>,
    %swap3A_123 = vector.shape_cast %swap3A_122 : vector<1x16xf32> to vector<16xf32>
    %swap3A_124 = vector.shape_cast %scan3A_100#3 : vector<16xf32> to vector<1x16xf32>
    tpu.vector_store %arg5[%swap3A_120, %swap3A_121], %swap3A_124 {strides = array<i32>} : memref<1x256xf32, #tpu.memory_space<vmem>>, vector<1x16xf32>,
    %swap3A_125 = arith.constant 0 : i32
    %swap3A_126 = arith.index_cast %swap3A_125 : i32 to index
    %swap3A_127 = arith.constant 64 : index
    %swap3A_128 = tpu.vector_load %arg5[%swap3A_126, %swap3A_127] {strides = array<i32>} : memref<1x256xf32, #tpu.memory_space<vmem>>, vector<1x16xf32>,
    %swap3A_129 = vector.shape_cast %swap3A_128 : vector<1x16xf32> to vector<16xf32>
    %swap3A_130 = vector.shape_cast %scan3A_100#4 : vector<16xf32> to vector<1x16xf32>
    tpu.vector_store %arg5[%swap3A_126, %swap3A_127], %swap3A_130 {strides = array<i32>} : memref<1x256xf32, #tpu.memory_space<vmem>>, vector<1x16xf32>,
    %swap3A_131 = arith.constant 0 : i32
    %swap3A_132 = arith.index_cast %swap3A_131 : i32 to index
    %swap3A_133 = arith.constant 80 : index
    %swap3A_134 = tpu.vector_load %arg5[%swap3A_132, %swap3A_133] {strides = array<i32>} : memref<1x256xf32, #tpu.memory_space<vmem>>, vector<1x16xf32>,
    %swap3A_135 = vector.shape_cast %swap3A_134 : vector<1x16xf32> to vector<16xf32>
    %swap3A_136 = vector.shape_cast %scan3A_100#5 : vector<16xf32> to vector<1x16xf32>
    tpu.vector_store %arg5[%swap3A_132, %swap3A_133], %swap3A_136 {strides = array<i32>} : memref<1x256xf32, #tpu.memory_space<vmem>>, vector<1x16xf32>,
    %swap3A_137 = arith.constant 0 : i32
    %swap3A_138 = arith.index_cast %swap3A_137 : i32 to index
    %swap3A_139 = arith.constant 96 : index
    %swap3A_140 = tpu.vector_load %arg5[%swap3A_138, %swap3A_139] {strides = array<i32>} : memref<1x256xf32, #tpu.memory_space<vmem>>, vector<1x16xf32>,
    %swap3A_141 = vector.shape_cast %swap3A_140 : vector<1x16xf32> to vector<16xf32>
    %swap3A_142 = vector.shape_cast %scan3A_100#6 : vector<16xf32> to vector<1x16xf32>
    tpu.vector_store %arg5[%swap3A_138, %swap3A_139], %swap3A_142 {strides = array<i32>} : memref<1x256xf32, #tpu.memory_space<vmem>>, vector<1x16xf32>,
    %swap3A_143 = arith.constant 0 : i32
    %swap3A_144 = arith.index_cast %swap3A_143 : i32 to index
    %swap3A_145 = arith.constant 112 : index
    %swap3A_146 = tpu.vector_load %arg5[%swap3A_144, %swap3A_145] {strides = array<i32>} : memref<1x256xf32, #tpu.memory_space<vmem>>, vector<1x16xf32>,
    %swap3A_147 = vector.shape_cast %swap3A_146 : vector<1x16xf32> to vector<16xf32>
    %swap3A_148 = vector.shape_cast %scan3A_100#7 : vector<16xf32> to vector<1x16xf32>
    tpu.vector_store %arg5[%swap3A_144, %swap3A_145], %swap3A_148 {strides = array<i32>} : memref<1x256xf32, #tpu.memory_space<vmem>>, vector<1x16xf32>,
    %swap3A_149 = arith.constant 0 : i32
    %swap3A_150 = arith.index_cast %swap3A_149 : i32 to index
    %swap3A_151 = arith.constant 128 : index
    %swap3A_152 = tpu.vector_load %arg5[%swap3A_150, %swap3A_151] {strides = array<i32>} : memref<1x256xf32, #tpu.memory_space<vmem>>, vector<1x16xf32>,
    %swap3A_153 = vector.shape_cast %swap3A_152 : vector<1x16xf32> to vector<16xf32>
    %swap3A_154 = vector.shape_cast %scan3A_100#8 : vector<16xf32> to vector<1x16xf32>
    tpu.vector_store %arg5[%swap3A_150, %swap3A_151], %swap3A_154 {strides = array<i32>} : memref<1x256xf32, #tpu.memory_space<vmem>>, vector<1x16xf32>,
    %swap3A_155 = arith.constant 0 : i32
    %swap3A_156 = arith.index_cast %swap3A_155 : i32 to index
    %swap3A_157 = arith.constant 144 : index
    %swap3A_158 = tpu.vector_load %arg5[%swap3A_156, %swap3A_157] {strides = array<i32>} : memref<1x256xf32, #tpu.memory_space<vmem>>, vector<1x16xf32>,
    %swap3A_159 = vector.shape_cast %swap3A_158 : vector<1x16xf32> to vector<16xf32>
    %swap3A_160 = vector.shape_cast %scan3A_100#9 : vector<16xf32> to vector<1x16xf32>
    tpu.vector_store %arg5[%swap3A_156, %swap3A_157], %swap3A_160 {strides = array<i32>} : memref<1x256xf32, #tpu.memory_space<vmem>>, vector<1x16xf32>,
    %swap3A_161 = arith.constant 0 : i32
    %swap3A_162 = arith.index_cast %swap3A_161 : i32 to index
    %swap3A_163 = arith.constant 160 : index
    %swap3A_164 = tpu.vector_load %arg5[%swap3A_162, %swap3A_163] {strides = array<i32>} : memref<1x256xf32, #tpu.memory_space<vmem>>, vector<1x16xf32>,
    %swap3A_165 = vector.shape_cast %swap3A_164 : vector<1x16xf32> to vector<16xf32>
    %swap3A_166 = vector.shape_cast %scan3A_100#10 : vector<16xf32> to vector<1x16xf32>
    tpu.vector_store %arg5[%swap3A_162, %swap3A_163], %swap3A_166 {strides = array<i32>} : memref<1x256xf32, #tpu.memory_space<vmem>>, vector<1x16xf32>,
    %swap3A_167 = arith.constant 0 : i32
    %swap3A_168 = arith.index_cast %swap3A_167 : i32 to index
    %swap3A_169 = arith.constant 176 : index
    %swap3A_170 = tpu.vector_load %arg5[%swap3A_168, %swap3A_169] {strides = array<i32>} : memref<1x256xf32, #tpu.memory_space<vmem>>, vector<1x16xf32>,
    %swap3A_171 = vector.shape_cast %swap3A_170 : vector<1x16xf32> to vector<16xf32>
    %swap3A_172 = vector.shape_cast %scan3A_100#11 : vector<16xf32> to vector<1x16xf32>
    tpu.vector_store %arg5[%swap3A_168, %swap3A_169], %swap3A_172 {strides = array<i32>} : memref<1x256xf32, #tpu.memory_space<vmem>>, vector<1x16xf32>,
    %swap3A_173 = arith.constant 0 : i32
    %swap3A_174 = arith.index_cast %swap3A_173 : i32 to index
    %swap3A_175 = arith.constant 192 : index
    %swap3A_176 = tpu.vector_load %arg5[%swap3A_174, %swap3A_175] {strides = array<i32>} : memref<1x256xf32, #tpu.memory_space<vmem>>, vector<1x16xf32>,
    %swap3A_177 = vector.shape_cast %swap3A_176 : vector<1x16xf32> to vector<16xf32>
    %swap3A_178 = vector.shape_cast %scan3A_100#12 : vector<16xf32> to vector<1x16xf32>
    tpu.vector_store %arg5[%swap3A_174, %swap3A_175], %swap3A_178 {strides = array<i32>} : memref<1x256xf32, #tpu.memory_space<vmem>>, vector<1x16xf32>,
    %swap3A_179 = arith.constant 0 : i32
    %swap3A_180 = arith.index_cast %swap3A_179 : i32 to index
    %swap3A_181 = arith.constant 208 : index
    %swap3A_182 = tpu.vector_load %arg5[%swap3A_180, %swap3A_181] {strides = array<i32>} : memref<1x256xf32, #tpu.memory_space<vmem>>, vector<1x16xf32>,
    %swap3A_183 = vector.shape_cast %swap3A_182 : vector<1x16xf32> to vector<16xf32>
    %swap3A_184 = vector.shape_cast %scan3A_100#13 : vector<16xf32> to vector<1x16xf32>
    tpu.vector_store %arg5[%swap3A_180, %swap3A_181], %swap3A_184 {strides = array<i32>} : memref<1x256xf32, #tpu.memory_space<vmem>>, vector<1x16xf32>,
    %swap3A_185 = arith.constant 0 : i32
    %swap3A_186 = arith.index_cast %swap3A_185 : i32 to index
    %swap3A_187 = arith.constant 224 : index
    %swap3A_188 = tpu.vector_load %arg5[%swap3A_186, %swap3A_187] {strides = array<i32>} : memref<1x256xf32, #tpu.memory_space<vmem>>, vector<1x16xf32>,
    %swap3A_189 = vector.shape_cast %swap3A_188 : vector<1x16xf32> to vector<16xf32>
    %swap3A_190 = vector.shape_cast %scan3A_100#14 : vector<16xf32> to vector<1x16xf32>
    tpu.vector_store %arg5[%swap3A_186, %swap3A_187], %swap3A_190 {strides = array<i32>} : memref<1x256xf32, #tpu.memory_space<vmem>>, vector<1x16xf32>,
    %swap3A_191 = arith.constant 0 : i32
    %swap3A_192 = arith.index_cast %swap3A_191 : i32 to index
    %swap3A_193 = arith.constant 240 : index
    %swap3A_194 = tpu.vector_load %arg5[%swap3A_192, %swap3A_193] {strides = array<i32>} : memref<1x256xf32, #tpu.memory_space<vmem>>, vector<1x16xf32>,
    %swap3A_195 = vector.shape_cast %swap3A_194 : vector<1x16xf32> to vector<16xf32>
    %swap3A_196 = vector.shape_cast %scan3A_100#15 : vector<16xf32> to vector<1x16xf32>
    tpu.vector_store %arg5[%swap3A_192, %swap3A_193], %swap3A_196 {strides = array<i32>} : memref<1x256xf32, #tpu.memory_space<vmem>>, vector<1x16xf32>,
    "tpu.region"() ({
      %run_scoped3A = tpu.sem_alloc : memref<!tpu.dma_semaphore, #tpu.memory_space<semaphore_mem>>
      %dma_start3A_197 = arith.constant 0 : i32
      %dma_start3A_198 = tpu.memref_slice %arg3[%add3A, %dma_start3A_197] : memref<32x256xf32, #tpu.memory_space<hbm>> -> memref<1x256xf32, #tpu.memory_space<hbm>>
      %dma_start3A_199 = arith.constant 0 : i32
      %dma_start3A_200 = tpu.memref_slice %arg3[%add3A, %dma_start3A_199] : memref<32x256xf32, #tpu.memory_space<hbm>> -> memref<1x256xf32, #tpu.memory_space<hbm>>
      tpu.enqueue_dma source(%arg5 : memref<1x256xf32, #tpu.memory_space<vmem>>) target(%dma_start3A_200 : memref<1x256xf32, #tpu.memory_space<hbm>>) target_semaphore(%run_scoped3A : memref<!tpu.dma_semaphore, #tpu.memory_space<semaphore_mem>>)
      %dma_wait3A_201 = arith.constant 0 : i32
      %dma_wait3A_202 = tpu.memref_slice %arg3[%add3A, %dma_wait3A_201] : memref<32x256xf32, #tpu.memory_space<hbm>> -> memref<1x256xf32, #tpu.memory_space<hbm>>
      %dma_wait3A_203 = arith.constant 0 : i32
      %dma_wait3A_204 = tpu.memref_slice %arg3[%add3A, %dma_wait3A_203] : memref<32x256xf32, #tpu.memory_space<hbm>> -> memref<1x256xf32, #tpu.memory_space<hbm>>
      tpu.wait_dma2 semaphore(%run_scoped3A : memref<!tpu.dma_semaphore, #tpu.memory_space<semaphore_mem>>) src(%arg5 : memref<1x256xf32, #tpu.memory_space<vmem>>) dst(%dma_wait3A_204 : memref<1x256xf32, #tpu.memory_space<hbm>>)
      tpu.yield
    }) : () -> ()
    return
  }
}

module attributes {stable_mosaic.version = 14 : i64} {
  func.func @_merge_body(%arg0: memref<6x256xf32, #tpu.memory_space<vmem>>, %arg1: memref<32x256xf32, #tpu.memory_space<vmem>>, %arg2: memref<8x256xf32, #tpu.memory_space<vmem>>) attributes {dimension_semantics = [], scalar_prefetch = 0 : i64, scratch_operands = 0 : i64, tpu.core_type = #tpu.core_type<tc>} {
    %get3A = arith.constant 0 : index
    %get3A_0 = arith.constant 0 : index
    %get3A_1 = vector.load %arg0[%get3A, %get3A_0] : memref<6x256xf32, #tpu.memory_space<vmem>>, vector<6x256xf32>
    %swap3A = arith.constant 0 : index
    %swap3A_2 = arith.constant 0 : index
    %swap3A_3 = vector.load %arg2[%swap3A, %swap3A_2] : memref<8x256xf32, #tpu.memory_space<vmem>>, vector<6x256xf32>
    tpu.vector_store %arg2[%swap3A, %swap3A_2], %get3A_1 {strides = array<i32>} : memref<8x256xf32, #tpu.memory_space<vmem>>, vector<6x256xf32>,
    %get3A_4 = arith.constant 0 : index
    %get3A_5 = arith.constant 0 : index
    %get3A_6 = vector.load %arg1[%get3A_4, %get3A_5] : memref<32x256xf32, #tpu.memory_space<vmem>>, vector<16x256xf32>
    %reduce_max3A = arith.constant dense<0xFF800000> : vector<256xf32>
    %reduce_max3A_7 = vector.multi_reduction <maximumf>, %get3A_6, %reduce_max3A [0] : vector<16x256xf32> to vector<256xf32>
    %broadcast_in_dim3A = vector.shape_cast %reduce_max3A_7 : vector<256xf32> to vector<1x256xf32>
    %swap3A_8 = arith.constant 6 : index
    %swap3A_9 = arith.constant 0 : index
    %swap3A_10 = vector.load %arg2[%swap3A_8, %swap3A_9] : memref<8x256xf32, #tpu.memory_space<vmem>>, vector<1x256xf32>
    tpu.vector_store %arg2[%swap3A_8, %swap3A_9], %broadcast_in_dim3A {strides = array<i32>} : memref<8x256xf32, #tpu.memory_space<vmem>>, vector<1x256xf32>,
    %get3A_11 = arith.constant 16 : index
    %get3A_12 = arith.constant 0 : index
    %get3A_13 = vector.load %arg1[%get3A_11, %get3A_12] : memref<32x256xf32, #tpu.memory_space<vmem>>, vector<16x256xf32>
    %reduce_max3A_14 = arith.constant dense<0xFF800000> : vector<256xf32>
    %reduce_max3A_15 = vector.multi_reduction <maximumf>, %get3A_13, %reduce_max3A_14 [0] : vector<16x256xf32> to vector<256xf32>
    %broadcast_in_dim3A_16 = vector.shape_cast %reduce_max3A_15 : vector<256xf32> to vector<1x256xf32>
    %swap3A_17 = arith.constant 7 : index
    %swap3A_18 = arith.constant 0 : index
    %swap3A_19 = vector.load %arg2[%swap3A_17, %swap3A_18] : memref<8x256xf32, #tpu.memory_space<vmem>>, vector<1x256xf32>
    tpu.vector_store %arg2[%swap3A_17, %swap3A_18], %broadcast_in_dim3A_16 {strides = array<i32>} : memref<8x256xf32, #tpu.memory_space<vmem>>, vector<1x256xf32>,
    return
  }
}

module attributes {stable_mosaic.version = 14 : i64} {
  func.func @_tc_seg_max_body(%arg0: i32, %arg1: memref<1024x256xf32, #tpu.memory_space<vmem>>, %arg2: memref<6x256xf32, #tpu.memory_space<vmem>>) attributes {dimension_semantics = [#tpu.dimension_semantics<arbitrary>], iteration_bounds = array<i64: 6>, scalar_prefetch = 0 : i64, scratch_operands = 0 : i64, tpu.core_type = #tpu.core_type<tc>, window_params = [{transform_indices = @transform_0, window_bounds = array<i64: 1024, 256>}, {pipeline_mode = #tpu.pipeline_mode<synchronous>, transform_indices = @transform_1, window_bounds = array<i64: 6, 256>}]} {
    %get3A = arith.constant 0 : index
    %get3A_0 = arith.constant 0 : index
    %get3A_1 = vector.load %arg1[%get3A, %get3A_0] : memref<1024x256xf32, #tpu.memory_space<vmem>>, vector<1024x256xf32>
    %reduce_max3A = arith.constant dense<0xFF800000> : vector<256xf32>
    %reduce_max3A_2 = vector.multi_reduction <maximumf>, %get3A_1, %reduce_max3A [0] : vector<1024x256xf32> to vector<256xf32>
    %broadcast_in_dim3A = vector.shape_cast %reduce_max3A_2 : vector<256xf32> to vector<1x256xf32>
    %swap3A = arith.index_cast %arg0 : i32 to index
    %swap3A_3 = arith.constant 0 : index
    %swap3A_4 = vector.load %arg2[%swap3A, %swap3A_3] : memref<6x256xf32, #tpu.memory_space<vmem>>, vector<1x256xf32>
    tpu.vector_store %arg2[%swap3A, %swap3A_3], %broadcast_in_dim3A {strides = array<i32>} : memref<6x256xf32, #tpu.memory_space<vmem>>, vector<1x256xf32>,
    return
  }
  func.func @transform_0(%arg0: i32) -> (i32, i32) {
    %c0_i32 = arith.constant 0 : i32
    %c0_i32_0 = arith.constant 0 : i32
    return %arg0, %c0_i32 : i32, i32
  }
  func.func @transform_1(%arg0: i32) -> (i32, i32) {
    %c0_i32 = arith.constant 0 : i32
    %c0_i32_0 = arith.constant 0 : i32
    %c0_i32_1 = arith.constant 0 : i32
    return %c0_i32, %c0_i32_0 : i32, i32
  }
}

</mosaic_0001>

<sc_bundles>
// kernel: kernel.5.cloned.1.call-start
scs
__scs_entry_jumppad:
0x0: {  	(pc) =	sbr.rel $0x88, $3  }
0x1: {  	(tag) =	ssettag $0x0;
	lr =	simm.s32 $0x1  }
0x2: {  	[smem:$0x3FA0] =	sst lr;
	_ =	strace $0xD0000000  }
0x3: {  	_ = 	snop  }
0x4: {  	_ = 	snop  }
0x5: {  	_ = 	snop  }
0x6: {  	_ = 	snop  }
0x7: {  	_ = 	snop  }
__scs_overlays_trampoline_lowered:
0x8: {  	[smem:$0x3FAF] =	sst s0  }
0x9: {  	[smem:$0x3FB0] =	sst s1  }
0xa: {  	[smem:$0x3FB1] =	sst s2  }
0xb: {  	[smem:$0x3FB2] =	sst s3  }
0xc: {  	[smem:$0x3FB3] =	sst s4  }
0xd: {  	[smem:$0x3FB4] =	sst s5  }
0xe: {  	[smem:$0x3FB5] =	sst s6  }
0xf: {  	[smem:$0x3FB6] =	sst s7  }
0x10: {  	[smem:$0x3FB7] =	sst s8  }
0x11: {  	[smem:$0x3FB8] =	sst s9;
	s0 =	simm.s32 @!p0 $0x0  }
0x12: {  	s1 =	sld [smem:$0x3F9E];
	s0 =	simm.s32 @p0 $0x1  }
0x13: {  	[smem:$0x3FB9] =	sst s0;
	s0 =	simm.s32 @!p1 $0x0  }
0x14: {  	s2 =	sld [smem:$0x3F9D];
	s0 =	simm.s32 @p1 $0x1  }
0x15: {  	[smem:$0x3FBA] =	sst s0;
	s0 =	simm.s32 @!p2 $0x0  }
0x16: {  	s3 =	sld [smem:$0x3FDB];
	s0 =	simm.s32 @p2 $0x1  }
0x17: {  	s4 =	simm.s32 $0x1BF5;
	[smem:$0x3FBC] =	sst s0  }
0x18: {  	s0 =	sld [smem:$0x3F9F];
	_ =	swait.ge [sflag:s4], $0x0  }
0x19: {  	s7 =	sld [smem:$0x3FA0]  }
0x1a: {  	s8 =	sadd.s32 $0xFFFFE003, lr  }
0x1b: {  	s9 =	sadd.s32 $0xFFFFFEF7, lr;
	s5 =	simm.s32 $0xFFFFFFFF;
	p2 =	slt.u32 s8, $0xFFFFF086  }
0x1c: {  	p1 =	slt.u32 s9, $0xF7A;
	s5 =	simm.s32 @!p2 $0x0  }
0x1d: {  	s5 =	simm.s32 @p1 $0x1;
	p0 =	seq.s32 s7, s2  }
0x1e: {  	s7 =	smul.u32 @!p0 $0xF7A, s2;
	p2 =	seq.s32 @!p0 s5, $0x0  }
0x1f: {  	s9 =	smul.u32 $0xF7A, s1;
	s8 =	simm.s32 @!p0 $0x1BF5;
	p2 =	por !p2, p0  }
0x20: {  	[sflag:s8] =	ssyncset.s32 @!p0 $0xFFFFF086;
	s6 =	sadd.s32 @!p0 s3, s7;
	s7 =	simm.s32 @!p0 $0x108  }
0x21: {  	s3 =	sadd.s32 s3, s9;
	s6 =	sadd.s32 @!p0 $0x88, s6;
	s7 =	simm.s32 @p2 $0x1082  }
0x22: {  	[simem:s7], [sflag:s8] =	dma.local @!p0 [hbm:s6], $0xF7A  }
0x23: {  	s9 =	sor.u32 $0xD0000000, s2;
	s6 =	simm.s32 $0x108;
	_ =	swait.ge @!p0 [sflag:s8], $0x0  }
0x24: {  	s3 =	sadd.s32 $0x88, s3;
	s6 =	simm.s32 @!p1 $0x1082;
	[sflag:s4] =	ssyncset.s32 $0xFFFFF086  }
0x25: {  	[simem:s6], [sflag:s4] =	dma.local [hbm:s3], $0xF7A  }
0x26: {  	[smem:$0x3FA0] =	sst s1;
	(tag) =	ssettag s2;
	_ =	strace s9  }
0x27: {  	s1 =	sld [smem:$0x3FB0]  }
0x28: {  	s2 =	sld [smem:$0x3FB1]  }
0x29: {  	s4 =	sld [smem:$0x3FB3]  }
0x2a: {  	p0 =	seq.s32 s5, $0x0;
	s5 =	sld [smem:$0x3FB4]  }
0x2b: {  	s6 =	sld [smem:$0x3FB5]  }
0x2c: {  	s7 =	sld [smem:$0x3FB6]  }
0x2d: {  	s3 =	simm.s32 $0x108;
	s8 =	sld [smem:$0x3FB7]  }
0x2e: {  	s3 =	simm.s32 @!p0 $0x1082;
	s9 =	sld [smem:$0x3FB8]  }
0x2f: {  	lr =	sadd.s32 s0, s3;
	s0 =	sld [smem:$0x3FAF]  }
0x30: {  	s3 =	sld [smem:$0x3FB2]  }
0x31: {  	[smem:$0x3FBB] =	sst s10  }
0x32: {  	s10 =	sld [smem:$0x3FB9];
	_ =	sdelay $0x3  }
0x33: {  	p0 =	seq.s32 s10, $0x1;
	s10 =	sld [smem:$0x3FBB];
	_ =	sdelay $0x3  }
0x34: {  	[smem:$0x3FBB] =	sst s10  }
0x35: {  	s10 =	sld [smem:$0x3FBA];
	_ =	sdelay $0x3  }
0x36: {  	p1 =	seq.s32 s10, $0x1;
	s10 =	sld [smem:$0x3FBB];
	_ =	sdelay $0x3  }
0x37: {  	[smem:$0x3FBB] =	sst s10  }
0x38: {  	s10 =	sld [smem:$0x3FBC]  }
0x39: {  	_ = 	snop;
	(pc) =	sbr.ind lr, $3  }
0x3a: {  	_ = 	snop  }
0x3b: {  	_ = 	snop  }
0x3c: {  	p2 =	seq.s32 s10, $0x1;
	s10 =	sld [smem:$0x3FBB]  }
0x3d: {  	_ =	shalt  }
0x3e: {  	_ =	shalt  }
0x3f: {  	_ =	shalt  }
0x40: {  	_ =	shalt  }
0x41: {  	_ =	shalt  }
0x42: {  	_ =	shalt  }
0x43: {  	_ =	shalt  }
0x44: {  	_ =	shalt  }
0x45: {  	_ =	shalt  }
0x46: {  	_ =	shalt  }
0x47: {  	_ =	shalt  }
0x48: {  	_ =	shalt  }
0x49: {  	_ =	shalt  }
0x4a: {  	_ =	shalt  }
0x4b: {  	_ =	shalt  }
0x4c: {  	_ =	shalt  }
0x4d: {  	_ =	shalt  }
0x4e: {  	_ =	shalt  }
0x4f: {  	_ =	shalt  }
0x50: {  	_ =	shalt  }
0x51: {  	_ =	shalt  }
0x52: {  	_ =	shalt  }
0x53: {  	_ =	shalt  }
0x54: {  	_ =	shalt  }
0x55: {  	_ =	shalt  }
0x56: {  	_ =	shalt  }
0x57: {  	_ =	shalt  }
0x58: {  	_ =	shalt  }
0x59: {  	_ =	shalt  }
0x5a: {  	_ =	shalt  }
0x5b: {  	_ =	shalt  }
0x5c: {  	_ =	shalt  }
0x5d: {  	_ =	shalt  }
0x5e: {  	_ =	shalt  }
0x5f: {  	_ =	shalt  }
0x60: {  	_ =	shalt  }
0x61: {  	_ =	shalt  }
0x62: {  	_ =	shalt  }
0x63: {  	_ =	shalt  }
0x64: {  	_ =	shalt  }
0x65: {  	_ =	shalt  }
0x66: {  	_ =	shalt  }
0x67: {  	_ =	shalt  }
0x68: {  	_ =	shalt  }
0x69: {  	_ =	shalt  }
0x6a: {  	_ =	shalt  }
0x6b: {  	_ =	shalt  }
0x6c: {  	_ =	shalt  }
0x6d: {  	_ =	shalt  }
0x6e: {  	_ =	shalt  }
0x6f: {  	_ =	shalt  }
0x70: {  	_ =	shalt  }
0x71: {  	_ =	shalt  }
0x72: {  	_ =	shalt  }
0x73: {  	_ =	shalt  }
0x74: {  	_ =	shalt  }
0x75: {  	_ =	shalt  }
0x76: {  	_ =	shalt  }
0x77: {  	_ =	shalt  }
0x78: {  	_ =	shalt  }
0x79: {  	_ =	shalt  }
0x7a: {  	_ =	shalt  }
0x7b: {  	_ =	shalt  }
0x7c: {  	_ =	shalt  }
0x7d: {  	_ =	shalt  }
0x7e: {  	_ =	shalt  }
0x7f: {  	_ =	shalt  }
0x80: {  	_ =	shalt  }
0x81: {  	_ =	shalt  }
0x82: {  	_ =	shalt  }
0x83: {  	_ =	shalt  }
0x84: {  	_ =	shalt  }
0x85: {  	_ =	shalt  }
0x86: {  	_ =	shalt  }
0x87: {  	_ =	shalt  }
.Lfunc_end0:
.L_simem_size_0:
called_computation_lowered:
.L_overlay_start_0:
0x88: {  	s2 =	sld [smem:$0x3FD9]  }
0x89: {  	s3 =	sld [smem:$0x3FFE];
	_ =	sdelay $0x1  }
0x8a: {  	s1 =	srdreg.scid  }
0x8b: {  	s0 =	sand.u32 $0x1, s1  }
0x8c: {  	s17 =	sshll.u32 s0, $0xA;
	s2 =	sadd.s32 s3, s2  }
0x8d: {  	s2 =	sadd.s32 s2, s17  }
0x8e: {  	[smem:$0x3FC7] =	sst s2  }
0x8f: {  	_ = 	snop  }
0x90: {  	s2 =	sld [smem:$0x3FC9];
	(tm) =	ssettm $0x1  }
0x91: {  	s18 =	sld [smem:$0x3FFB];
	_ =	sdelay $0x3  }
0x92: {  	_ =	strace s18  }
0x93: {  	s3 =	sld [smem:$0x3FFC];
	_ =	sdelay $0x3  }
0x94: {  	_ =	strace s3  }
0x95: {  	s3 =	sld [smem:$0x3FFD];
	_ =	sdelay $0x3  }
0x96: {  	_ =	strace s3  }
0x97: {  	_ =	strace $0x8FFFFFFF  }
0x98: {  	s19 =	sld [smem:$0x3FDB];
	_ =	sdelay $0x1  }
0x99: {  	s4 =	simm.s32 $_scs_section_size  }
0x9a: {  	s5 =	simm.s32 $_size__tile_overlayer_lowered;
	s6 =	simm.s32 $_tile_overlayer_lowered  }
0x9b: {  	s22 =	simm.s32 $0x1BFF;
	s21 =	sshll.u32 s6, $0x1;
	s3 =	sadd.s32 s4, s19  }
0x9c: {  	s7 =	simm.s32 $0x0;
	s20 =	sshll.u32 s5, $0x1;
	s5 =	sadd.s32 s21, s3  }
0x9d: {  	[timem:s7], [sflag:s22] =	dma.local [hbm:s5], s20  }
0x9e: {  	_ =	swait.ge [sflag:s22], s20  }
0x9f: {  	s4 =	ssub.s32 $0x0, s20;
	[sflag:s22] =	ssyncset.done $0x0  }
0xa0: {  	[sflag:s22] =	ssyncadd.s32 s4;
	_ =	sdelay $0x1  }
0xa1: {  	s23 =	simm.s32 $0x1B8B  }
0xa2: {  	_ =	swait.ge [sflag:s23], $0x1  }
0xa3: {  	[sflag:s23] =	ssyncset.done $0x0  }
0xa4: {  	s25 =	simm.s32 $0x1B8E;
	s24 =	sld [smem:$0x3FFE];
	[sflag:s23] =	ssyncadd.s32 $0xFFFFFFFF  }
0xa5: {  	s26 =	simm.s32 $execute0_lowered;
	[smem:$0x3FD2] =	sst s25  }
0xa6: {  	s5 =	sshll.u32 s26, $0x1;
	_ =	strace $0x80000046;
	[dreg:$0x1] =	wrdreg $0xFFFFFFFF  }
0xa7: {  	s28 =	simm.s32 $_size_execute0_lowered;
	s3 =	sadd.s32 s3, s5;
	[dreg:$0x0] =	wrdreg $0x0  }
0xa8: {  	s5 =	sshll.u32 s28, $0x1;
	[dreg:$0x2] =	wrdreg s3  }
0xa9: {  	[dreg:$0x3] =	wrdreg s5  }
0xaa: {  	[dreg:$0x4] =	wrdreg $0xC0  }
0xab: {  	_ =	task [dreg:s7], $0x5FFFF  }
0xac: {  	[dreg:$0x1] =	wrdreg $0xFFFFFFFF  }
0xad: {  	[dreg:$0x0] =	wrdreg $0x60  }
0xae: {  	[dreg:$0x2] =	wrdreg s2  }
0xaf: {  	[dreg:$0x3] =	wrdreg s24  }
0xb0: {  	[dreg:$0x4] =	wrdreg $0x9  }
0xb1: {  	_ =	task.clear_ibuf [dreg:s7], $0x5FFFF;
	_ =	strace $0x90000046  }
0xb2: {  	s29 =	simm.s32 $0x9;
	_ =	strace $0x80000048  }
0xb3: {  	_ =	swait.ge [sflag:s29], $0x1  }
0xb4: {  	[sflag:s29] =	ssyncadd.s32 $0xFFFFFFFF  }
0xb5: {  	_ =	strace $0x90000048  }
0xb6: {  	_ =	sfence  }
0xb7: {  	s30 =	sld [smem:$0x0];
	_ =	sdelay $0x2  }
0xb8: {  	s31 =	sshll.u32 s1, $0xD;
	s1 =	sshrl.u32 s1, $0x2  }
0xb9: {  	s3 =	sand.u32 $0x4000, s31;
	s1 =	sadd.s32 s1, s30  }
0xba: {  	s0 =	sor.u32 s3, s0;
	s1 =	sshll.u32 s1, $0x11  }
0xbb: {  	s0 =	sor.u32 s1, s0  }
0xbc: {  	s0 =	sadd.s32 $0x8F2B, s0  }
0xbd: {  	[sflag:s0] =	ssyncadd.remote.s32 $0x1  }
0xbe: {  	_ =	sfence.sel $0xFFFF  }
0xbf: {  	[dreg:$0x0] =	wrdreg $0xFFFFFFFF;
	(pc) =	sbr.abs _section_cstart, $3  }
0xc0: {  	[dreg:$0x1] =	wrdreg $0xFFFFFFFF  }
0xc1: {  	_ =	task.clear_ibuf [dreg:s7], $0x2FFFF;
	_ =	strace $0x9FFFFFFF  }
0xc2: {  	(tm) =	ssettm $0x7FFFFFFF  }
0xc3: {  	_ =	shalt  }
tec
execute0_lowered:
.L_overlay_start_1:
0x0: {  	(tag) =	ssettag $0x1  }
0x1: {  	s3 =	rddreg [dreg:$0x0]  }
0x2: {  	s4 =	rddreg [dreg:$0x1];
	s1 =	stileid.u32  }
0x3: {  	s0 =	rddreg [dreg:$0x2];
	s2 =	simm.s32 $0x0;
	s6 =	srdreg.scid  }
0x4: {  	s11 =	simm.s32 $0x400;
	s12 =	simm.s32 $0x4000;
	s13 =	simm.s32 $0x3  }
0x5: {  	s14 =	simm.s32 $0x0;
	s5 =	sshll.u32 s1, $0x4;
	[smem:$0x7FF] =	sst s2  }
0x6: {  	s31 =	sand.u32 $0x1, s6;
	s8 =	sshll.u32 s1, $0x5;
	s9 =	sshll.u32 s1, $0xB  }
0x7: {  	s5 =	sand.u32 $0x70, s5;
	_ =	strace $0x80000047;
	s6 =	ssub.s32 $0x2, s31  }
0x8: {  	s7 =	sshll.u32 s31, $0xF;
	s8 =	sand.u32 $0x100, s8;
	s4 =	sadd.s32 s5, s4  }
0x9: {  	s5 =	sshll.u32 s31, $0x9;
	s10 =	sshrl.u32 s6, $0x1;
	s7 =	sor.u32 s9, s7  }
0xa: {  	s9 =	simm.s32 $0x2;
	s5 =	sor.u32 s8, s5;
	s6 =	ssub.s32 s6, s10  }
0xb: {  	s7 =	sadd.s32 s7, s3;
	s8 =	simm.s32 $0x1;
	s10 =	simm.s32 $0x80  }
0xc: {  	s5 =	sadd.s32 s5, s4;
	s3 =	sadd.s32 $0x30000, s7;
	s4 =	sadd.s32 $0x30400, s7  }
0xd: {  	s6 =	smax.u32 s6, $0x1;
	s7 =	simm.s32 $0x2000;
	s5 =	sadd.s32 $0x800, s5  }
.LBB2_1:
0xe: {  	[tilespmem:s2], [sflag:$0x1] =	stream.linear.gather [hbm4b:s3+s2], $0x2000, $0x38;
	[tilespmem:$0x4100] =	vst v63  }
0xf: {  	_ = 	snop  }
0x10: {  	[tilespmem:s7], [sflag:$0x2] =	stream.linear.gather [hbm4b:s4+s2], $0x2000, $0x38;
	[tilespmem:$0x4100] =	vst v63  }
0x11: {  	_ =	swait.ge [sflag:s8], $0x2000  }
0x12: {  	s15 =	sand.u32 $0x1800, s2;
	s16 =	sand.u32 $0x380, s2;
	[sflag:s8] =	ssyncset.done $0x0  }
0x13: {  	s15 =	sor.u32 s16, s15;
	[sflag:s8] =	ssyncadd.s32 $0xFFFFE000  }
0x14: {  	v0 =	vld [tilespmem:s15+$0x470]  }
0x15: {  	v1 =	vld [tilespmem:s15+$0x0]  }
0x16: {  	v4 =	vld [tilespmem:s15+$0x10]  }
0x17: {  	v5 =	vld [tilespmem:s15+$0x20]  }
0x18: {  	v6 =	vld [tilespmem:s15+$0x30]  }
0x19: {  	v7 =	vld [tilespmem:s15+$0x40]  }
0x1a: {  	v8 =	vld [tilespmem:s15+$0x50]  }
0x1b: {  	v9 =	vld [tilespmem:s15+$0x60]  }
0x1c: {  	v11 =	vld [tilespmem:s15+$0x70]  }
0x1d: {  	v10 =	vimm.f32 $-Inf;
	v12 =	vld [tilespmem:s15+$0x400]  }
0x1e: {  	v14 =	vimm.f32 $-Inf;
	v15 =	vimm.f32 $-Inf;
	v13 =	vimm.f32 $-Inf;
	v16 =	vld [tilespmem:s15+$0x410]  }
0x1f: {  	v17 =	vld [tilespmem:s15+$0x420];
	v2 =	vmax.f32 v10, v0;
	v3 =	vmax.f32 v10, v1;
	v0 =	vmax.f32 v10, v4  }
0x20: {  	v18 =	vld [tilespmem:s15+$0x430];
	v4 =	vmax.f32 v10, v5;
	v5 =	vmax.f32 v10, v6;
	v1 =	vmax.f32 v10, v7  }
0x21: {  	s17 =	simm.s32 $0x100;
	s16 =	simm.s32 $0x80;
	v19 =	vld [tilespmem:s15+$0x440];
	v6 =	vmax.f32 v10, v8;
	v7 =	vmax.f32 v10, v9;
	v8 =	vmax.f32 v10, v11  }
0x22: {  	s18 =	sand.u32 $0x1800, s17;
	s17 =	simm.s32 $0x200;
	s19 =	sand.u32 $0x380, s16;
	v20 =	vld [tilespmem:s15+$0x450];
	v9 =	vmax.f32 v10, v12;
	v12 =	vimm.f32 $-Inf;
	v11 =	vimm.f32 $-Inf  }
.LBB2_2:
0x23: {  	p0 =	sne.s32 s17, $0x1F00;
	v10 =	vmax.f32 v10, v16;
	v16 =	vld [tilespmem:s15+$0x460];
	s15 =	sor.u32 s19, s18  }
0x24: {  	v21 =	vld [tilespmem:s15+$0x470];
	v12 =	vmax.f32 v12, v17  }
0x25: {  	v17 =	vld [tilespmem:s15+$0x0];
	v11 =	vmax.f32 v11, v18  }
0x26: {  	v18 =	vld [tilespmem:s15+$0x10];
	v14 =	vmax.f32 v14, v19  }
0x27: {  	v19 =	vld [tilespmem:s15+$0x20];
	v15 =	vmax.f32 v15, v20  }
0x28: {  	v20 =	vld [tilespmem:s15+$0x30];
	v13 =	vmax.f32 v13, v16  }
0x29: {  	v16 =	vld [tilespmem:s15+$0x40];
	v2 =	vmax.f32 v2, v21  }
0x2a: {  	v3 =	vmax.f32 v3, v17;
	v17 =	vld [tilespmem:s15+$0x50]  }
0x2b: {  	v0 =	vmax.f32 v0, v18;
	v18 =	vld [tilespmem:s15+$0x60]  }
0x2c: {  	v4 =	vmax.f32 v4, v19;
	v19 =	vld [tilespmem:s15+$0x70]  }
0x2d: {  	v5 =	vmax.f32 v5, v20;
	v20 =	vld [tilespmem:s15+$0x400]  }
.Ltmp0:
0x2e: {  	v1 =	vmax.f32 v1, v16;
	v16 =	vld [tilespmem:s15+$0x410];
	(pc) =	sbr.rel @p0 .LBB2_2-.Ltmp0, $4  }
0x2f: {  	v6 =	vmax.f32 v6, v17;
	v17 =	vld [tilespmem:s15+$0x420]  }
0x30: {  	v7 =	vmax.f32 v7, v18;
	v18 =	vld [tilespmem:s15+$0x430]  }
0x31: {  	s16 =	sadd.s32 $0x80, s16;
	v8 =	vmax.f32 v8, v19;
	v19 =	vld [tilespmem:s15+$0x440]  }
0x32: {  	s18 =	sand.u32 $0x1800, s17;
	s17 =	sadd.s32 $0x100, s17;
	s19 =	sand.u32 $0x380, s16;
	v9 =	vmax.f32 v9, v20;
	v20 =	vld [tilespmem:s15+$0x450]  }
0x33: {  	s16 =	sor.u32 s19, s18;
	v21 =	vld [tilespmem:s15+$0x460]  }
0x34: {  	v22 =	vld [tilespmem:s16+$0x470]  }
0x35: {  	v23 =	vld [tilespmem:s16+$0x0]  }
0x36: {  	v24 =	vld [tilespmem:s16+$0x10]  }
0x37: {  	v25 =	vld [tilespmem:s16+$0x20]  }
0x38: {  	v26 =	vld [tilespmem:s16+$0x30]  }
0x39: {  	v27 =	vld [tilespmem:s16+$0x40]  }
0x3a: {  	v28 =	vld [tilespmem:s16+$0x50]  }
0x3b: {  	v29 =	vld [tilespmem:s16+$0x60]  }
0x3c: {  	v30 =	vld [tilespmem:s16+$0x70]  }
0x3d: {  	v31 =	vld [tilespmem:s16+$0x400]  }
0x3e: {  	v32 =	vld [tilespmem:s16+$0x410]  }
0x3f: {  	v33 =	vld [tilespmem:s16+$0x420]  }
0x40: {  	v34 =	vld [tilespmem:s16+$0x430]  }
0x41: {  	v35 =	vld [tilespmem:s16+$0x440]  }
0x42: {  	v36 =	vld [tilespmem:s16+$0x450]  }
0x43: {  	s30 =	simm.s32 $0x0;
	v37 =	vld [tilespmem:s16+$0x460];
	_ =	swait.ge [sflag:s9], $0x2000  }
0x44: {  	s31 =	sand.u32 $0x1800, s30;
	s15 =	sand.u32 $0x380, s30;
	[sflag:s9] =	ssyncset.done $0x0  }
0x45: {  	s15 =	sor.u32 s15, s31;
	[sflag:s9] =	ssyncadd.s32 $0xFFFFE000  }
0x46: {  	v38 =	vld [tilespmem:s15+$0x2470]  }
0x47: {  	v39 =	vld [tilespmem:s15+$0x2000]  }
0x48: {  	v40 =	vld [tilespmem:s15+$0x2010]  }
0x49: {  	v41 =	vld [tilespmem:s15+$0x2020]  }
0x4a: {  	v10 =	vmax.f32 v10, v16;
	v12 =	vmax.f32 v12, v17;
	v42 =	vld [tilespmem:s15+$0x2030]  }
0x4b: {  	v11 =	vmax.f32 v11, v18;
	v14 =	vmax.f32 v14, v19;
	v15 =	vmax.f32 v15, v20;
	v19 =	vld [tilespmem:s15+$0x2040]  }
0x4c: {  	v20 =	vld [tilespmem:s15+$0x2050];
	v13 =	vmax.f32 v13, v21;
	v16 =	vmax.f32 v2, v22;
	v18 =	vmax.f32 v3, v23  }
0x4d: {  	v56 =	vld [tilespmem:s15+$0x2060];
	v21 =	vmax.f32 v0, v24;
	v22 =	vmax.f32 v4, v25;
	v23 =	vmax.f32 v5, v26  }
0x4e: {  	v60 =	vld [tilespmem:s15+$0x2070];
	v57 =	vmax.f32 v1, v27;
	v58 =	vmax.f32 v6, v28;
	v59 =	vmax.f32 v7, v29  }
0x4f: {  	v63 =	vld [tilespmem:s15+$0x2400];
	v61 =	vmax.f32 v8, v30;
	v62 =	vmax.f32 v9, v31;
	v6 =	vmax.f32 v10, v32  }
0x50: {  	v17 =	vld [tilespmem:s15+$0x2410];
	v5 =	vmax.f32 v12, v33;
	v4 =	vmax.f32 v11, v34;
	v3 =	vmax.f32 v14, v35  }
0x51: {  	v2 =	vmax.f32 v15, v36;
	v1 =	vmax.f32 v13, v37;
	v0 =	vmax.f32 v16, v38;
	v16 =	vld [tilespmem:s15+$0x2420]  }
0x52: {  	v15 =	vmax.f32 v18, v39;
	v14 =	vmax.f32 v21, v40;
	v10 =	vmax.f32 v22, v41;
	v18 =	vld [tilespmem:s15+$0x2430]  }
0x53: {  	s17 =	simm.s32 $0x100;
	s16 =	simm.s32 $0x80;
	v11 =	vmax.f32 v23, v42;
	v7 =	vmax.f32 v57, v19;
	v8 =	vmax.f32 v58, v20;
	v19 =	vld [tilespmem:s15+$0x2440]  }
0x54: {  	s18 =	sand.u32 $0x1800, s17;
	s17 =	simm.s32 $0x200;
	s19 =	sand.u32 $0x380, s16;
	v12 =	vmax.f32 v59, v56;
	v9 =	vmax.f32 v61, v60;
	v13 =	vmax.f32 v62, v63;
	v20 =	vld [tilespmem:s15+$0x2450]  }
.LBB2_4:
0x55: {  	p0 =	sne.s32 s17, $0x1F00;
	v6 =	vmax.f32 v6, v17;
	v17 =	vld [tilespmem:s15+$0x2460];
	s15 =	sor.u32 s19, s18  }
0x56: {  	v21 =	vld [tilespmem:s15+$0x2470];
	v5 =	vmax.f32 v5, v16  }
0x57: {  	v16 =	vld [tilespmem:s15+$0x2000];
	v4 =	vmax.f32 v4, v18  }
0x58: {  	v18 =	vld [tilespmem:s15+$0x2010];
	v3 =	vmax.f32 v3, v19  }
0x59: {  	v19 =	vld [tilespmem:s15+$0x2020];
	v2 =	vmax.f32 v2, v20  }
0x5a: {  	v20 =	vld [tilespmem:s15+$0x2030];
	v1 =	vmax.f32 v1, v17  }
0x5b: {  	v17 =	vld [tilespmem:s15+$0x2040];
	v0 =	vmax.f32 v0, v21  }
0x5c: {  	v15 =	vmax.f32 v15, v16;
	v16 =	vld [tilespmem:s15+$0x2050]  }
0x5d: {  	v14 =	vmax.f32 v14, v18;
	v18 =	vld [tilespmem:s15+$0x2060]  }
0x5e: {  	v10 =	vmax.f32 v10, v19;
	v19 =	vld [tilespmem:s15+$0x2070]  }
0x5f: {  	v11 =	vmax.f32 v11, v20;
	v20 =	vld [tilespmem:s15+$0x2400]  }
.Ltmp1:
0x60: {  	v7 =	vmax.f32 v7, v17;
	v17 =	vld [tilespmem:s15+$0x2410];
	(pc) =	sbr.rel @p0 .LBB2_4-.Ltmp1, $4  }
0x61: {  	v8 =	vmax.f32 v8, v16;
	v16 =	vld [tilespmem:s15+$0x2420]  }
0x62: {  	v12 =	vmax.f32 v12, v18;
	v18 =	vld [tilespmem:s15+$0x2430]  }
0x63: {  	s16 =	sadd.s32 $0x80, s16;
	v9 =	vmax.f32 v9, v19;
	v19 =	vld [tilespmem:s15+$0x2440]  }
0x64: {  	s18 =	sand.u32 $0x1800, s17;
	s17 =	sadd.s32 $0x100, s17;
	s19 =	sand.u32 $0x380, s16;
	v13 =	vmax.f32 v13, v20;
	v20 =	vld [tilespmem:s15+$0x2450]  }
0x65: {  	s16 =	sor.u32 s19, s18;
	v21 =	vld [tilespmem:s15+$0x2460]  }
0x66: {  	v22 =	vld [tilespmem:s16+$0x2470]  }
0x67: {  	v23 =	vld [tilespmem:s16+$0x2000]  }
0x68: {  	v24 =	vld [tilespmem:s16+$0x2010]  }
0x69: {  	v25 =	vld [tilespmem:s16+$0x2020]  }
0x6a: {  	v26 =	vld [tilespmem:s16+$0x2030]  }
0x6b: {  	v27 =	vld [tilespmem:s16+$0x2040]  }
0x6c: {  	v28 =	vld [tilespmem:s16+$0x2050]  }
0x6d: {  	v29 =	vld [tilespmem:s16+$0x2060]  }
0x6e: {  	v30 =	vld [tilespmem:s16+$0x2070]  }
0x6f: {  	v31 =	vld [tilespmem:s16+$0x2400]  }
0x70: {  	v32 =	vld [tilespmem:s16+$0x2410]  }
0x71: {  	v33 =	vld [tilespmem:s16+$0x2420]  }
0x72: {  	v34 =	vld [tilespmem:s16+$0x2430]  }
0x73: {  	v35 =	vld [tilespmem:s16+$0x2440]  }
0x74: {  	v36 =	vld [tilespmem:s16+$0x2450];
	v15 =	vmax.f32 v15, v23  }
0x75: {  	v60 =	vld [tilespmem:s16+$0x2460];
	v14 =	vmax.f32 v14, v24;
	[tilespmem:$0x4000] =	vst v15  }
0x76: {  	v10 =	vmax.f32 v10, v25;
	[tilespmem:$0x4010] =	vst v14  }
0x77: {  	v11 =	vmax.f32 v11, v26;
	[tilespmem:$0x4020] =	vst v10  }
0x78: {  	v7 =	vmax.f32 v7, v27;
	[tilespmem:$0x4030] =	vst v11  }
0x79: {  	v8 =	vmax.f32 v8, v28;
	[tilespmem:$0x4040] =	vst v7  }
0x7a: {  	v61 =	vmax.f32 v12, v29;
	[tilespmem:$0x4050] =	vst v8  }
0x7b: {  	v62 =	vmax.f32 v9, v30;
	[tilespmem:$0x4060] =	vst v61  }
0x7c: {  	v6 =	vmax.f32 v6, v17;
	v63 =	vmax.f32 v13, v31;
	[tilespmem:$0x4070] =	vst v62  }
0x7d: {  	v5 =	vmax.f32 v5, v16;
	v6 =	vmax.f32 v6, v32;
	[tilespmem:$0x4080] =	vst v63  }
0x7e: {  	v4 =	vmax.f32 v4, v18;
	v5 =	vmax.f32 v5, v33;
	[tilespmem:$0x4090] =	vst v6  }
0x7f: {  	v3 =	vmax.f32 v3, v19;
	v4 =	vmax.f32 v4, v34;
	[tilespmem:$0x40A0] =	vst v5  }
0x80: {  	v2 =	vmax.f32 v2, v20;
	v3 =	vmax.f32 v3, v35;
	[tilespmem:$0x40B0] =	vst v4  }
0x81: {  	v1 =	vmax.f32 v1, v21;
	v2 =	vmax.f32 v2, v36;
	[tilespmem:$0x40C0] =	vst v3  }
0x82: {  	s14 =	sadd.s32 $0x1, s14;
	v1 =	vmax.f32 v1, v60;
	[tilespmem:$0x40D0] =	vst v2  }
0x83: {  	p0 =	sne.s32 s14, s6;
	v0 =	vmax.f32 v0, v22;
	[tilespmem:$0x40E0] =	vst v1  }
.Ltmp2:
0x84: {  	[tilespmem:$0x40F0] =	vst v0;
	(pc) =	sbr.rel @p0 .LBB2_1-.Ltmp2, $4  }
0x85: {  	[hbm4b:s5+s10] =	stream.strided.scatter [tilespmem:s12], [sflag:$0x3], $0x100, s11, s10, $0x38;
	[tilespmem:$0x4100] =	vst v63  }
0x86: {  	_ =	swait.ge [sflag:s13], $0x100  }
0x87: {  	[sflag:s13] =	ssyncset.done $0x0  }
0x88: {  	[sflag:s13] =	ssyncadd.s32 $0xFFFFFF00  }
0x89: {  	_ =	sfence.sel $0x180000  }
0x8a: {  	[bflag:$0x0] =	sbarrier.arrive $0xFFFF  }
0x8b: {  	p0 =	sne.s32 s1, $0x0;
	_ =	strace $0x90000047  }
0x8c: {  	s0 =	sadd.s32 @!p0 $0x100000, s0;
	[bflag:$0x2] =	sbarrier.arrive $0xFFFF  }
0x8d: {  	[sflag:s0] =	ssyncadd.tile.s32 @!p0 $0x1;
	_ =	shalt  }
.Lfunc_end2:
_tile_overlayer_lowered:
.L_overlay_start_2:
0x8e: {  	(tag) =	ssettag $0x2  }
0x8f: {  	s0 =	rddreg [dreg:$0x0];
	s2 =	stileid.u32  }
0x90: {  	s1 =	rddreg [dreg:$0x1];
	p0 =	sne.s32 s2, $0x0  }
0x91: {  	s3 =	rddreg [dreg:$0x2];
	[bflag:$0x3] =	sbarrier.arrive $0xFFFF;
	s2 =	simm.s32 @!p0 $0x1C03  }
0x92: {  	[timem:s3], [sflag:s2] =	dma.local @!p0 [hbm:s0], s1  }
0x93: {  	s0 =	simm.s32 @!p0 $0x3  }
0x94: {  	_ =	swait.ge @!p0 [sflag:s0], s1  }
0x95: {  	s1 =	ssub.s32 @!p0 $0x0, s1;
	[sflag:s0] =	ssyncset.done @!p0 $0x0  }
0x96: {  	[sflag:s0] =	ssyncadd.s32 @!p0 s1  }
0x97: {  	[bflag:$0x3] =	sbarrier.arrive $0xFFFF  }
0x98: {  	_ =	shalt  }

</sc_bundles>
